<compile_context>
chip_gen: v7x
topology: tpu7x:2x2x1
jax: 0.10.2.dev20260603
libtpu: 0.0.44.dev20260713+nightly
codegen_flags: <defaults>
</compile_context>

<pallas_src>
import dataclasses

import jax
import jax.numpy as jnp
from jax.experimental import pallas as pl
from jax.experimental.pallas import tpu as pltpu
from jax.experimental.pallas import tpu_sc as plsc

E = 16
H = 1024
FFN = 2048
TOP_K = 2
T = 128
DEPTH = 3
ROWS = 4

_VEC_MESH = plsc.VectorSubcoreMesh(core_axis_name="core",
                                   subcore_axis_name="subcore")


def _gx_body(x_ref, wr_ref, gx_ref):
    gx_ref[...] = jax.lax.dot_general(
        x_ref[...], wr_ref[...],
        dimension_numbers=(((1,), (1,)), ((), ())),
        preferred_element_type=jnp.float32)


def _router_probs_topk(gx):

    cp = pltpu.CompilerParams()
    if "needs_layout_passes" in pltpu.CompilerParams.__dataclass_fields__:
        cp = dataclasses.replace(cp, needs_layout_passes=False)

    @pl.kernel(out_type=[jax.ShapeDtypeStruct((T, E), jnp.float32),
                         jax.ShapeDtypeStruct((T, E), jnp.int32)],
               mesh=_VEC_MESH, compiler_params=cp)
    def k(gx_hbm, probs_hbm, topk_hbm):
        def body(g_vmem, p_vmem, t_vmem):
            @pl.loop(0, ROWS)
            def _(j):
                row = g_vmem.at[j][...]
                lane = jax.lax.iota(jnp.int32, 16)
                m = jnp.max(row)
                ep = jnp.exp(row - m)
                p = ep / jnp.sum(ep)
                p_vmem.at[j][...] = p
                m1 = jnp.max(p)
                i1 = jnp.min(jnp.where(p == m1, lane, E))
                pm = jnp.where(lane == i1, -1.0, p)
                m2 = jnp.max(pm)
                i2 = jnp.min(jnp.where(pm == m2, lane, E))
                t_vmem.at[j][...] = jnp.where(
                    lane == 0, i1, jnp.where(lane == 1, i2, 0))

        pltpu.emit_pipeline(
            body,
            grid=(T // ROWS,),
            in_specs=[pl.BlockSpec((ROWS, E), lambda i: (i, 0))],
            out_specs=[pl.BlockSpec((ROWS, E), lambda i: (i, 0)),
                       pl.BlockSpec((ROWS, E), lambda i: (i, 0))],
            core_axis_name=("core", "subcore"),
            dimension_semantics=(pltpu.PARALLEL,),
        )(gx_hbm, probs_hbm, topk_hbm)

    return k(gx)


def _moe_body(x_ref, wr_ref, w1_hbm, b1_ref, w2_hbm, b2_ref,
              out_ref, w1_buf, w2_buf, c_ref, sem1, sem2):
    def start_copy(e, slot):
        pltpu.make_async_copy(w1_hbm.at[e], w1_buf.at[slot],
                              sem1.at[slot]).start()
        pltpu.make_async_copy(w2_hbm.at[e], w2_buf.at[slot],
                              sem2.at[slot]).start()

    for k in range(DEPTH):
        start_copy(k, k)

    xx = x_ref[...]
    g = jax.lax.dot_general(
        xx, wr_ref[...],
        dimension_numbers=(((1,), (1,)), ((), ())),
        preferred_element_type=jnp.float32)
    m = jnp.max(g, axis=-1, keepdims=True)
    ex = jnp.exp(g - m)
    p = ex / jnp.sum(ex, axis=-1, keepdims=True)
    cols = jax.lax.broadcasted_iota(jnp.int32, (T, E), 1)
    i1 = jnp.argmax(p, axis=-1)
    p1 = jnp.max(p, axis=-1)
    pm = jnp.where(cols == i1[:, None], -1.0, p)
    i2 = jnp.argmax(pm, axis=-1)
    p2 = jnp.max(pm, axis=-1)
    s = p1 + p2 + 1e-9
    p1n = (p1 / s)[:, None]
    p2n = (p2 / s)[:, None]
    c_ref[...] = (jnp.where(cols == i1[:, None], p1n, 0.0)
                  + jnp.where(cols == i2[:, None], p2n, 0.0))
    out_ref[...] = jnp.zeros_like(out_ref)

    def step(e, carry):
        slot = jax.lax.rem(e, DEPTH)
        pltpu.make_async_copy(w1_hbm.at[e], w1_buf.at[slot],
                              sem1.at[slot]).wait()
        pltpu.make_async_copy(w2_hbm.at[e], w2_buf.at[slot],
                              sem2.at[slot]).wait()

        cols_ = jax.lax.broadcasted_iota(jnp.int32, (T, E), 1)
        coef = jnp.sum(jnp.where(cols_ == e, c_ref[...], 0.0), axis=1,
                       keepdims=True)
        h = jax.lax.dot_general(
            x_ref[...], w1_buf[slot],
            dimension_numbers=(((1,), (1,)), ((), ())),
            preferred_element_type=jnp.float32)
        h = h + b1_ref[e]
        h = 0.5 * h * (1.0 + jax.lax.erf(h * 0.7071067811865476))
        o = jax.lax.dot_general(
            h, w2_buf[slot],
            dimension_numbers=(((1,), (1,)), ((), ())),
            preferred_element_type=jnp.float32)
        out_ref[...] += coef * (o + b2_ref[e])

        @pl.when(e + DEPTH < E)
        def _next():
            start_copy(e + DEPTH, slot)

        return carry

    jax.lax.fori_loop(0, E, step, 0)


@jax.jit
def kernel(x, Wr, W1, b1, W2, b2):
    B, S, _ = x.shape
    xf = x.reshape(T, H)

    gx = pl.pallas_call(
        _gx_body,
        in_specs=[pl.BlockSpec(memory_space=pltpu.VMEM),
                  pl.BlockSpec(memory_space=pltpu.VMEM)],
        out_specs=pl.BlockSpec(memory_space=pltpu.VMEM),
        out_shape=jax.ShapeDtypeStruct((T, E), jnp.float32),
    )(xf, Wr)

    probs, topk16 = _router_probs_topk(gx)

    out = pl.pallas_call(
        _moe_body,
        in_specs=[
            pl.BlockSpec(memory_space=pltpu.VMEM),
            pl.BlockSpec(memory_space=pltpu.VMEM),
            pl.BlockSpec(memory_space=pltpu.HBM),
            pl.BlockSpec(memory_space=pltpu.VMEM),
            pl.BlockSpec(memory_space=pltpu.HBM),
            pl.BlockSpec(memory_space=pltpu.VMEM),
        ],
        out_specs=pl.BlockSpec(memory_space=pltpu.VMEM),
        out_shape=jax.ShapeDtypeStruct((T, H), jnp.float32),
        scratch_shapes=[
            pltpu.VMEM((DEPTH, FFN, H), jnp.float32),
            pltpu.VMEM((DEPTH, H, FFN), jnp.float32),
            pltpu.VMEM((T, E), jnp.float32),
            pltpu.SemaphoreType.DMA((DEPTH,)),
            pltpu.SemaphoreType.DMA((DEPTH,)),
        ],
        compiler_params=pltpu.CompilerParams(
            vmem_limit_bytes=100 * 1024 * 1024,
        ),
    )(xf, Wr, W1, b1.reshape(E, 1, FFN), W2, b2.reshape(E, 1, H))

    return (out.reshape(B, S, H), probs.reshape(B, S, E),
            topk16[:, :TOP_K].reshape(B, S, TOP_K))

# --- scband reference (transcript-rebuilt; emitter-appended) ---
"""Pipeline reference for scband-specific-mo-e-23012434772537 (READ-ONLY COPY).

The authoritative reference and input builder live on the scoring server;
editing this copy changes nothing except your own understanding.
"""

import jax, jax.numpy as jnp
import numpy as np

E = 16
H = 1024
FFN = 2048
TOP_K = 2

def setup_inputs(seed: int = 0) -> dict:
    key = jax.random.key(seed)
    ks = jax.random.split(key, 6)
    x = jax.random.normal(ks[0], (32, 4, H), dtype=jnp.float32)
    Wr = jax.random.normal(ks[1], (E, H), dtype=jnp.float32) * 0.02
    W1 = jax.random.normal(ks[2], (E, FFN, H), dtype=jnp.float32) * 0.02
    b1 = jnp.zeros((E, FFN), dtype=jnp.float32)
    W2 = jax.random.normal(ks[3], (E, H, FFN), dtype=jnp.float32) * 0.02
    b2 = jnp.zeros((E, H), dtype=jnp.float32)
    return {"x": x, "Wr": Wr, "W1": W1, "b1": b1, "W2": W2, "b2": b2}

def reference(x, Wr, W1, b1, W2, b2):
    # router: Linear(hidden, num_experts, bias=False) -> x @ Wr.T
    g_x = x @ Wr.T  # [B, S, E]
    probs = jax.nn.softmax(g_x, axis=-1)
    topk_p, topk_i = jax.lax.top_k(probs, TOP_K)
    topk_p = topk_p / (jnp.sum(topk_p, axis=-1, keepdims=True) + 1e-09)
    output = jnp.zeros_like(x)
    for k in range(TOP_K):
        e_idx = topk_i[..., k]           # [B, S]
        e_prob = topk_p[..., k:k + 1]    # [B, S, 1]
        for eid in range(E):
            mask = (e_idx == eid)[..., None].astype(x.dtype)  # [B, S, 1]
            h = jax.nn.gelu(x @ W1[eid].T + b1[eid], approximate=False)
            expert_out = h @ W2[eid].T + b2[eid]
            output = output + mask * e_prob * expert_out
    return (output, probs, topk_i)

if __name__ == "__main__":
    import jax
    _d = setup_inputs()
    print(jax.jit(kernel)(*tuple(_d.values())))

</pallas_src>

<mosaic_0001>
#map = affine_map<(d0, d1) -> (0, 0)>
module attributes {stable_mosaic.version = 14 : i64} {
  func.func @k(%arg0: i32, %arg1: i32, %arg2: memref<128x16xf32, #tpu.memory_space<hbm>>, %arg3: memref<128x16xf32, #tpu.memory_space<hbm>>, %arg4: memref<128x16xi32, #tpu.memory_space<hbm>>) attributes {dimension_semantics = [#tpu.dimension_semantics<core_parallel>, #tpu.dimension_semantics<subcore_parallel>], iteration_bounds = array<i64: 2, 16>, scalar_prefetch = 0 : i64, scratch_operands = 0 : i64, tpu.core_type = #tpu.core_type<sc_vector_subcore>, window_params = [{transform_indices = #map}, {transform_indices = #map}, {transform_indices = #map}]} {
    %mul3A = arith.constant 1 : i32
    %mul3A_0 = arith.muli %arg1, %mul3A : i32
    %add3A = arith.constant 0 : i32
    %add3A_1 = arith.addi %add3A, %mul3A_0 : i32
    %mul3A_2 = arith.constant 16 : i32
    %mul3A_3 = arith.muli %arg0, %mul3A_2 : i32
    %add3A_4 = arith.addi %add3A_1, %mul3A_3 : i32
    %mul3A_5 = arith.constant 1 : i32
    %mul3A_6 = arith.muli %add3A_4, %mul3A_5 : i32
    "tpu.region"() ({
      %run_scoped3A = memref.alloca() : memref<2x4x16xf32, #tpu.memory_space<vmem>>
      %run_scoped3A_7 = tpu.sem_alloc : memref<2x!tpu.dma_semaphore, #tpu.memory_space<semaphore_mem>>
      %run_scoped3A_8 = memref.alloca() : memref<2x4x16xf32, #tpu.memory_space<vmem>>
      %run_scoped3A_9 = tpu.sem_alloc : memref<2x!tpu.dma_semaphore, #tpu.memory_space<semaphore_mem>>
      %run_scoped3A_10 = memref.alloca() : memref<2x4x16xi32, #tpu.memory_space<vmem>>
      %run_scoped3A_11 = tpu.sem_alloc : memref<2x!tpu.dma_semaphore, #tpu.memory_space<semaphore_mem>>
      %add3A_12 = arith.constant 0 : i32
      %add3A_13 = arith.addi %add3A_12, %mul3A_6 : i32
      %select_n3A = arith.constant true
      %select_n3A_14 = arith.constant 0 : i32
      %select_n3A_15 = arith.constant -1 : i32
      %select_n3A_16 = arith.select %select_n3A, %select_n3A_15, %select_n3A_14 : i32
      %eq3A = arith.constant -1 : i32
      %eq3A_17 = arith.cmpi eq, %select_n3A_16, %eq3A : i32
      %select_n3A_18 = arith.constant 0 : i32
      %select_n3A_19 = arith.select %eq3A_17, %select_n3A_18, %select_n3A_16 : i32
      %add3A_20 = arith.constant 0 : i32
      %add3A_21 = arith.addi %add3A_20, %mul3A_6 : i32
      %select_n3A_22 = arith.constant true
      %select_n3A_23 = arith.constant 0 : i32
      %select_n3A_24 = arith.constant 1 : i32
      %select_n3A_25 = arith.select %select_n3A_22, %select_n3A_24, %select_n3A_23 : i32
      %eq3A_26 = arith.constant 1 : i32
      %eq3A_27 = arith.cmpi eq, %select_n3A_25, %eq3A_26 : i32
      %select_n3A_28 = arith.constant 0 : i32
      %select_n3A_29 = arith.select %eq3A_27, %select_n3A_28, %select_n3A_25 : i32
      %add3A_30 = arith.constant 0 : i32
      %add3A_31 = arith.addi %add3A_30, %mul3A_6 : i32
      %select_n3A_32 = arith.constant true
      %select_n3A_33 = arith.constant 0 : i32
      %select_n3A_34 = arith.constant 1 : i32
      %select_n3A_35 = arith.select %select_n3A_32, %select_n3A_34, %select_n3A_33 : i32
      %eq3A_36 = arith.constant 1 : i32
      %eq3A_37 = arith.cmpi eq, %select_n3A_35, %eq3A_36 : i32
      %select_n3A_38 = arith.constant 0 : i32
      %select_n3A_39 = arith.select %eq3A_37, %select_n3A_38, %select_n3A_35 : i32
      %add3A_40 = arith.constant 0 : i32
      %add3A_41 = arith.addi %add3A_40, %mul3A_6 : i32
      "tpu.trace_start"() <{level = 10 : i32, message = "ep_initialize_0"}> : () -> ()
      %rem3A = arith.constant 0 : i32
      %rem3A_42 = arith.constant 2 : i32
      %rem3A_43 = arith.remui %rem3A, %rem3A_42 : i32
      %mul3A_44 = arith.constant 4 : i32
      %mul3A_45 = arith.muli %mul3A_44, %add3A_13 : i32
      %dma_start3A = arith.constant 0 : i32
      %dma_start3A_46 = arith.constant 0 : i32
      %dma_start3A_47 = tpu.memref_slice %run_scoped3A[%rem3A_43, %dma_start3A, %dma_start3A_46] : memref<2x4x16xf32, #tpu.memory_space<vmem>> -> memref<1x4x16xf32, #tpu.memory_space<vmem>>
      %dma_start3A_48 = tpu.memref_squeeze %dma_start3A_47 : memref<1x4x16xf32, #tpu.memory_space<vmem>> -> memref<4x16xf32, #tpu.memory_space<vmem>>
      %dma_start3A_49 = arith.constant 0 : i32
      %dma_start3A_50 = tpu.memref_slice %arg2[%mul3A_45, %dma_start3A_49] : memref<128x16xf32, #tpu.memory_space<hbm>> -> memref<4x16xf32, #tpu.memory_space<hbm>>
      %dma_start3A_51 = tpu.memref_slice %run_scoped3A_7[%rem3A_43] : memref<2x!tpu.dma_semaphore, #tpu.memory_space<semaphore_mem>> -> memref<1x!tpu.dma_semaphore, #tpu.memory_space<semaphore_mem>>
      %dma_start3A_52 = tpu.memref_squeeze %dma_start3A_51 : memref<1x!tpu.dma_semaphore, #tpu.memory_space<semaphore_mem>> -> memref<!tpu.dma_semaphore, #tpu.memory_space<semaphore_mem>>
      %dma_start3A_53 = arith.constant 0 : i32
      %dma_start3A_54 = arith.constant 0 : i32
      %dma_start3A_55 = tpu.memref_slice %run_scoped3A[%rem3A_43, %dma_start3A_53, %dma_start3A_54] : memref<2x4x16xf32, #tpu.memory_space<vmem>> -> memref<1x4x16xf32, #tpu.memory_space<vmem>>
      %dma_start3A_56 = tpu.memref_squeeze %dma_start3A_55 : memref<1x4x16xf32, #tpu.memory_space<vmem>> -> memref<4x16xf32, #tpu.memory_space<vmem>>
      %dma_start3A_57 = arith.constant 0 : i32
      %dma_start3A_58 = tpu.memref_slice %arg2[%mul3A_45, %dma_start3A_57] : memref<128x16xf32, #tpu.memory_space<hbm>> -> memref<4x16xf32, #tpu.memory_space<hbm>>
      tpu.enqueue_dma source(%dma_start3A_58 : memref<4x16xf32, #tpu.memory_space<hbm>>) target(%dma_start3A_56 : memref<4x16xf32, #tpu.memory_space<vmem>>) target_semaphore(%dma_start3A_52 : memref<!tpu.dma_semaphore, #tpu.memory_space<semaphore_mem>>)
      %add3A_59 = arith.constant 0 : i32
      %add3A_60 = arith.constant 1 : i32
      %add3A_61 = arith.addi %add3A_59, %add3A_60 : i32
      %select_n3A_62 = arith.constant true
      %select_n3A_63 = arith.constant 0 : i32
      %select_n3A_64 = arith.select %select_n3A_62, %add3A_61, %select_n3A_63 : i32
      "tpu.trace_stop"() : () -> ()
      %scan3A = arith.constant 0 : i32
      %scan3A_65 = arith.constant 0 : i32
      %scan3A_66 = arith.constant 0 : i32
      %scan3A_67 = arith.constant 0 : i32
      %scan3A_68 = arith.constant 0 : i32
      %scan3A_69 = arith.constant 0 : i32
      %scan3A_70 = arith.constant 0 : i32
      %eq3A_71 = arith.constant 0 : i32
      %eq3A_72 = arith.cmpi eq, %scan3A_70, %eq3A_71 : i32
      %eq3A_73 = arith.constant 0 : i32
      %eq3A_74 = arith.cmpi eq, %scan3A_70, %eq3A_73 : i32
      %add3A_75 = arith.constant 0 : i32
      %add3A_76 = arith.addi %add3A_75, %mul3A_6 : i32
      %select_n3A_77 = arith.constant true
      %select_n3A_78 = arith.constant 0 : i32
      %select_n3A_79 = arith.constant -1 : i32
      %select_n3A_80 = arith.select %select_n3A_77, %select_n3A_79, %select_n3A_78 : i32
      %eq3A_81 = arith.constant -1 : i32
      %eq3A_82 = arith.cmpi eq, %select_n3A_80, %eq3A_81 : i32
      %select_n3A_83 = arith.constant 0 : i32
      %select_n3A_84 = arith.select %eq3A_82, %select_n3A_83, %select_n3A_80 : i32
      %add3A_85 = arith.constant 0 : i32
      %add3A_86 = arith.addi %add3A_85, %mul3A_6 : i32
      %select_n3A_87 = arith.constant true
      %select_n3A_88 = arith.constant 0 : i32
      %select_n3A_89 = arith.constant 1 : i32
      %select_n3A_90 = arith.select %select_n3A_87, %select_n3A_89, %select_n3A_88 : i32
      %eq3A_91 = arith.constant 1 : i32
      %eq3A_92 = arith.cmpi eq, %select_n3A_90, %eq3A_91 : i32
      %select_n3A_93 = arith.constant 0 : i32
      %select_n3A_94 = arith.select %eq3A_92, %select_n3A_93, %select_n3A_90 : i32
      %add3A_95 = arith.constant 0 : i32
      %add3A_96 = arith.addi %add3A_95, %mul3A_6 : i32
      %select_n3A_97 = arith.constant true
      %select_n3A_98 = arith.constant 0 : i32
      %select_n3A_99 = arith.constant 1 : i32
      %select_n3A_100 = arith.select %select_n3A_97, %select_n3A_99, %select_n3A_98 : i32
      %eq3A_101 = arith.constant 1 : i32
      %eq3A_102 = arith.cmpi eq, %select_n3A_100, %eq3A_101 : i32
      %select_n3A_103 = arith.constant 0 : i32
      %select_n3A_104 = arith.select %eq3A_102, %select_n3A_103, %select_n3A_100 : i32
      %add3A_105 = arith.constant 0 : i32
      %add3A_106 = arith.addi %add3A_105, %mul3A_6 : i32
      %ne3A = arith.cmpi ne, %add3A_76, %add3A_96 : i32
      %or3A = arith.constant false
      %or3A_107 = arith.ori %or3A, %ne3A : i1
      %or3A_108 = arith.constant false
      %or3A_109 = arith.ori %or3A_107, %or3A_108 : i1
      %ge3A = arith.constant 0 : i32
      %ge3A_110 = arith.cmpi sge, %scan3A_70, %ge3A : i32
      %not3A = arith.constant true
      %not3A_111 = arith.xori %ge3A_110, %not3A : i1
      %and3A = arith.andi %or3A_109, %not3A_111 : i1
      %convert_element_type3A = arith.extui %and3A : i1 to i32
      %cond3A = arith.constant 0 : i32
      %cond3A_112 = arith.cmpi ne, %convert_element_type3A, %cond3A : i32
      scf.if %cond3A_112 {
        "tpu.trace_start"() <{level = 10 : i32, message = "ep_copy_in"}> : () -> ()
        %rem3A_353 = arith.constant 2 : i32
        %rem3A_354 = arith.remui %select_n3A_64, %rem3A_353 : i32
        %mul3A_355 = arith.constant 4 : i32
        %mul3A_356 = arith.muli %mul3A_355, %add3A_96 : i32
        %dma_start3A_357 = arith.constant 0 : i32
        %dma_start3A_358 = arith.constant 0 : i32
        %dma_start3A_359 = tpu.memref_slice %run_scoped3A[%rem3A_354, %dma_start3A_357, %dma_start3A_358] : memref<2x4x16xf32, #tpu.memory_space<vmem>> -> memref<1x4x16xf32, #tpu.memory_space<vmem>>
        %dma_start3A_360 = tpu.memref_squeeze %dma_start3A_359 : memref<1x4x16xf32, #tpu.memory_space<vmem>> -> memref<4x16xf32, #tpu.memory_space<vmem>>
        %dma_start3A_361 = arith.constant 0 : i32
        %dma_start3A_362 = tpu.memref_slice %arg2[%mul3A_356, %dma_start3A_361] : memref<128x16xf32, #tpu.memory_space<hbm>> -> memref<4x16xf32, #tpu.memory_space<hbm>>
        %dma_start3A_363 = tpu.memref_slice %run_scoped3A_7[%rem3A_354] : memref<2x!tpu.dma_semaphore, #tpu.memory_space<semaphore_mem>> -> memref<1x!tpu.dma_semaphore, #tpu.memory_space<semaphore_mem>>
        %dma_start3A_364 = tpu.memref_squeeze %dma_start3A_363 : memref<1x!tpu.dma_semaphore, #tpu.memory_space<semaphore_mem>> -> memref<!tpu.dma_semaphore, #tpu.memory_space<semaphore_mem>>
        %dma_start3A_365 = arith.constant 0 : i32
        %dma_start3A_366 = arith.constant 0 : i32
        %dma_start3A_367 = tpu.memref_slice %run_scoped3A[%rem3A_354, %dma_start3A_365, %dma_start3A_366] : memref<2x4x16xf32, #tpu.memory_space<vmem>> -> memref<1x4x16xf32, #tpu.memory_space<vmem>>
        %dma_start3A_368 = tpu.memref_squeeze %dma_start3A_367 : memref<1x4x16xf32, #tpu.memory_space<vmem>> -> memref<4x16xf32, #tpu.memory_space<vmem>>
        %dma_start3A_369 = arith.constant 0 : i32
        %dma_start3A_370 = tpu.memref_slice %arg2[%mul3A_356, %dma_start3A_369] : memref<128x16xf32, #tpu.memory_space<hbm>> -> memref<4x16xf32, #tpu.memory_space<hbm>>
        tpu.enqueue_dma source(%dma_start3A_370 : memref<4x16xf32, #tpu.memory_space<hbm>>) target(%dma_start3A_368 : memref<4x16xf32, #tpu.memory_space<vmem>>) target_semaphore(%dma_start3A_364 : memref<!tpu.dma_semaphore, #tpu.memory_space<semaphore_mem>>)
        "tpu.trace_stop"() : () -> ()
      } else {
      }
      %and3A_113 = arith.constant true
      %and3A_114 = arith.andi %and3A, %and3A_113 : i1
      %add3A_115 = arith.constant 1 : i32
      %add3A_116 = arith.addi %select_n3A_64, %add3A_115 : i32
      %select_n3A_117 = arith.select %and3A_114, %add3A_116, %select_n3A_64 : i32
      %ne3A_118 = arith.cmpi ne, %add3A_76, %add3A_96 : i32
      %or3A_119 = arith.constant false
      %or3A_120 = arith.ori %or3A_119, %ne3A_118 : i1
      %or3A_121 = arith.constant false
      %or3A_122 = arith.ori %or3A_120, %or3A_121 : i1
      %ge3A_123 = arith.constant 0 : i32
      %ge3A_124 = arith.cmpi sge, %scan3A_70, %ge3A_123 : i32
      %not3A_125 = arith.constant true
      %not3A_126 = arith.xori %ge3A_124, %not3A_125 : i1
      %and3A_127 = arith.andi %or3A_122, %not3A_126 : i1
      %ne3A_128 = arith.cmpi ne, %add3A_76, %add3A_96 : i32
      %or3A_129 = arith.constant false
      %or3A_130 = arith.ori %or3A_129, %ne3A_128 : i1
      %or3A_131 = arith.constant false
      %or3A_132 = arith.ori %or3A_130, %or3A_131 : i1
      %ge3A_133 = arith.constant 0 : i32
      %ge3A_134 = arith.cmpi sge, %scan3A_70, %ge3A_133 : i32
      %not3A_135 = arith.constant true
      %not3A_136 = arith.xori %ge3A_134, %not3A_135 : i1
      %and3A_137 = arith.andi %or3A_132, %not3A_136 : i1
      %ne3A_138 = arith.cmpi ne, %add3A_76, %add3A_86 : i32
      %or3A_139 = arith.constant false
      %or3A_140 = arith.ori %or3A_139, %ne3A_138 : i1
      %or3A_141 = arith.constant false
      %or3A_142 = arith.ori %or3A_140, %or3A_141 : i1
      %or3A_143 = arith.ori %or3A_142, %eq3A_72 : i1
      %convert_element_type3A_144 = arith.extui %or3A_143 : i1 to i32
      %cond3A_145 = arith.constant 0 : i32
      %cond3A_146 = arith.cmpi ne, %convert_element_type3A_144, %cond3A_145 : i32
      scf.if %cond3A_146 {
        "tpu.trace_start"() <{level = 10 : i32, message = "ep_wait_in"}> : () -> ()
        %mul3A_353 = arith.constant 4 : i32
        %mul3A_354 = arith.muli %mul3A_353, %add3A_76 : i32
        %rem3A_355 = arith.constant 2 : i32
        %rem3A_356 = arith.remui %scan3A, %rem3A_355 : i32
        %dma_wait3A_357 = arith.constant 0 : i32
        %dma_wait3A_358 = arith.constant 0 : i32
        %dma_wait3A_359 = tpu.memref_slice %run_scoped3A[%rem3A_356, %dma_wait3A_357, %dma_wait3A_358] : memref<2x4x16xf32, #tpu.memory_space<vmem>> -> memref<1x4x16xf32, #tpu.memory_space<vmem>>
        %dma_wait3A_360 = tpu.memref_squeeze %dma_wait3A_359 : memref<1x4x16xf32, #tpu.memory_space<vmem>> -> memref<4x16xf32, #tpu.memory_space<vmem>>
        %dma_wait3A_361 = arith.constant 0 : i32
        %dma_wait3A_362 = tpu.memref_slice %arg2[%mul3A_354, %dma_wait3A_361] : memref<128x16xf32, #tpu.memory_space<hbm>> -> memref<4x16xf32, #tpu.memory_space<hbm>>
        %dma_wait3A_363 = tpu.memref_slice %run_scoped3A_7[%rem3A_356] : memref<2x!tpu.dma_semaphore, #tpu.memory_space<semaphore_mem>> -> memref<1x!tpu.dma_semaphore, #tpu.memory_space<semaphore_mem>>
        %dma_wait3A_364 = tpu.memref_squeeze %dma_wait3A_363 : memref<1x!tpu.dma_semaphore, #tpu.memory_space<semaphore_mem>> -> memref<!tpu.dma_semaphore, #tpu.memory_space<semaphore_mem>>
        %dma_wait3A_365 = arith.constant 0 : i32
        %dma_wait3A_366 = arith.constant 0 : i32
        %dma_wait3A_367 = tpu.memref_slice %run_scoped3A[%rem3A_356, %dma_wait3A_365, %dma_wait3A_366] : memref<2x4x16xf32, #tpu.memory_space<vmem>> -> memref<1x4x16xf32, #tpu.memory_space<vmem>>
        %dma_wait3A_368 = tpu.memref_squeeze %dma_wait3A_367 : memref<1x4x16xf32, #tpu.memory_space<vmem>> -> memref<4x16xf32, #tpu.memory_space<vmem>>
        %dma_wait3A_369 = arith.constant 0 : i32
        %dma_wait3A_370 = tpu.memref_slice %arg2[%mul3A_354, %dma_wait3A_369] : memref<128x16xf32, #tpu.memory_space<hbm>> -> memref<4x16xf32, #tpu.memory_space<hbm>>
        tpu.wait_dma2 semaphore(%dma_wait3A_364 : memref<!tpu.dma_semaphore, #tpu.memory_space<semaphore_mem>>) src(%dma_wait3A_370 : memref<4x16xf32, #tpu.memory_space<hbm>>) dst(%dma_wait3A_368 : memref<4x16xf32, #tpu.memory_space<vmem>>)
        "tpu.trace_stop"() : () -> ()
      } else {
      }
      %ne3A_147 = arith.cmpi ne, %add3A_76, %add3A_86 : i32
      %or3A_148 = arith.constant false
      %or3A_149 = arith.ori %or3A_148, %ne3A_147 : i1
      %or3A_150 = arith.constant false
      %or3A_151 = arith.ori %or3A_149, %or3A_150 : i1
      %or3A_152 = arith.ori %or3A_151, %eq3A_72 : i1
      %convert_element_type3A_153 = arith.extui %or3A_152 : i1 to i32
      %cond3A_154 = arith.constant 0 : i32
      %cond3A_155 = arith.cmpi ne, %convert_element_type3A_153, %cond3A_154 : i32
      scf.if %cond3A_155 {
      } else {
      }
      %ne3A_156 = arith.cmpi ne, %add3A_76, %add3A_86 : i32
      %or3A_157 = arith.constant false
      %or3A_158 = arith.ori %or3A_157, %ne3A_156 : i1
      %or3A_159 = arith.constant false
      %or3A_160 = arith.ori %or3A_158, %or3A_159 : i1
      %or3A_161 = arith.ori %or3A_160, %eq3A_72 : i1
      %convert_element_type3A_162 = arith.extui %or3A_161 : i1 to i32
      %cond3A_163 = arith.constant 0 : i32
      %cond3A_164 = arith.cmpi ne, %convert_element_type3A_162, %cond3A_163 : i32
      scf.if %cond3A_164 {
      } else {
      }
      %rem3A_165 = arith.constant 2 : i32
      %rem3A_166 = arith.remui %scan3A, %rem3A_165 : i32
      %rem3A_167 = arith.constant 2 : i32
      %rem3A_168 = arith.remui %scan3A_65, %rem3A_167 : i32
      %rem3A_169 = arith.constant 2 : i32
      %rem3A_170 = arith.remui %scan3A_67, %rem3A_169 : i32
      "tpu.trace_start"() <{level = 10 : i32, message = "ep_run_kernel"}> : () -> ()
      %scan3A_171 = arith.constant 0 : i32
      %scan3A_172 = arith.constant 4 : i32
      %scan3A_173 = arith.addi %scan3A_171, %scan3A_172 : i32
      %scan3A_174 = arith.constant 1 : i32
      scf.for %scan3A_353 = %scan3A_171 to %scan3A_173 step %scan3A_174  : i32 {
        %mul3A_354 = arith.constant 1 : i32
        %mul3A_355 = arith.muli %scan3A_353, %mul3A_354 : i32
        %add3A_356 = arith.constant 0 : i32
        %add3A_357 = arith.addi %add3A_356, %mul3A_355 : i32
        %get3A = arith.constant 0 : i32
        %get3A_358 = arith.constant 0 : i32
        %get3A_359 = tpu.memref_slice %run_scoped3A[%rem3A_166, %get3A, %get3A_358] : memref<2x4x16xf32, #tpu.memory_space<vmem>> -> memref<1x4x16xf32, #tpu.memory_space<vmem>>
        %get3A_360 = tpu.memref_squeeze %get3A_359 : memref<1x4x16xf32, #tpu.memory_space<vmem>> -> memref<4x16xf32, #tpu.memory_space<vmem>>
        %get3A_361 = arith.index_cast %add3A_357 : i32 to index
        %get3A_362 = arith.constant 0 : index
        %get3A_363 = tpu.vector_load %get3A_360[%get3A_361, %get3A_362] {strides = array<i32>} : memref<4x16xf32, #tpu.memory_space<vmem>>, vector<16xf32>,
        %iota3A = tpu.iota {dimensions = array<i32: 0>} : vector<16xi32>
        %reduce_max3A = arith.constant true
        %reduce_max3A_364 = vector.broadcast %reduce_max3A : i1 to vector<16xi1>
        %reduce_max3A_365 = tpu.scan <max>, %get3A_363 masked %reduce_max3A_364 : vector<16xf32>, vector<16xi1> -> vector<16xf32>
        %reduce_max3A_366 = vector.extract %reduce_max3A_365[15] : f32 from vector<16xf32>
        %sub3A_367 = vector.broadcast %reduce_max3A_366 : f32 to vector<16xf32>
        %sub3A_368 = arith.subf %get3A_363, %sub3A_367 : vector<16xf32>
        %exp3A = math.exp %sub3A_368 : vector<16xf32>
        %reduce_sum3A = arith.constant true
        %reduce_sum3A_369 = vector.broadcast %reduce_sum3A : i1 to vector<16xi1>
        %reduce_sum3A_370 = tpu.scan <sum>, %exp3A masked %reduce_sum3A_369 : vector<16xf32>, vector<16xi1> -> vector<16xf32>
        %reduce_sum3A_371 = vector.extract %reduce_sum3A_370[15] : f32 from vector<16xf32>
        %div3A = vector.broadcast %reduce_sum3A_371 : f32 to vector<16xf32>
        %div3A_372 = arith.divf %exp3A, %div3A : vector<16xf32>
        %swap3A = arith.constant 0 : i32
        %swap3A_373 = arith.constant 0 : i32
        %swap3A_374 = tpu.memref_slice %run_scoped3A_8[%rem3A_168, %swap3A, %swap3A_373] : memref<2x4x16xf32, #tpu.memory_space<vmem>> -> memref<1x4x16xf32, #tpu.memory_space<vmem>>
        %swap3A_375 = tpu.memref_squeeze %swap3A_374 : memref<1x4x16xf32, #tpu.memory_space<vmem>> -> memref<4x16xf32, #tpu.memory_space<vmem>>
        %swap3A_376 = arith.index_cast %add3A_357 : i32 to index
        %swap3A_377 = arith.constant 0 : index
        %swap3A_378 = tpu.vector_load %swap3A_375[%swap3A_376, %swap3A_377] {strides = array<i32>} : memref<4x16xf32, #tpu.memory_space<vmem>>, vector<16xf32>,
        tpu.vector_store %swap3A_375[%swap3A_376, %swap3A_377], %div3A_372 {strides = array<i32>} : memref<4x16xf32, #tpu.memory_space<vmem>>, vector<16xf32>,
        %reduce_max3A_379 = arith.constant true
        %reduce_max3A_380 = vector.broadcast %reduce_max3A_379 : i1 to vector<16xi1>
        %reduce_max3A_381 = tpu.scan <max>, %div3A_372 masked %reduce_max3A_380 : vector<16xf32>, vector<16xi1> -> vector<16xf32>
        %reduce_max3A_382 = vector.extract %reduce_max3A_381[15] : f32 from vector<16xf32>
        %eq3A_383 = vector.broadcast %reduce_max3A_382 : f32 to vector<16xf32>
        %eq3A_384 = arith.cmpf oeq, %div3A_372, %eq3A_383 : vector<16xf32>
        %jit3A = arith.constant 16 : i32
        %broadcast_in_dim3A = vector.broadcast %jit3A : i32 to vector<16xi32>
        %select_n3A_385 = arith.select %eq3A_384, %iota3A, %broadcast_in_dim3A : vector<16xi1>, vector<16xi32>
        %reduce_min3A = arith.constant true
        %reduce_min3A_386 = vector.broadcast %reduce_min3A : i1 to vector<16xi1>
        %reduce_min3A_387 = arith.constant -2147483648 : i32
        %reduce_min3A_388 = vector.broadcast %reduce_min3A_387 : i32 to vector<16xi32>
        %reduce_min3A_389 = arith.xori %select_n3A_385, %reduce_min3A_388 : vector<16xi32>
        %reduce_min3A_390 = tpu.scan <min>, %reduce_min3A_389 masked %reduce_min3A_386 : vector<16xi32>, vector<16xi1> -> vector<16xi32>
        %reduce_min3A_391 = arith.xori %reduce_min3A_390, %reduce_min3A_388 : vector<16xi32>
        %reduce_min3A_392 = vector.extract %reduce_min3A_391[15] : i32 from vector<16xi32>
        %eq3A_393 = vector.broadcast %reduce_min3A_392 : i32 to vector<16xi32>
        %eq3A_394 = arith.cmpi eq, %iota3A, %eq3A_393 : vector<16xi32>
        %jit3A_395 = arith.constant -1.000000e+00 : f32
        %broadcast_in_dim3A_396 = vector.broadcast %jit3A_395 : f32 to vector<16xf32>
        %select_n3A_397 = arith.select %eq3A_394, %broadcast_in_dim3A_396, %div3A_372 : vector<16xi1>, vector<16xf32>
        %reduce_max3A_398 = arith.constant true
        %reduce_max3A_399 = vector.broadcast %reduce_max3A_398 : i1 to vector<16xi1>
        %reduce_max3A_400 = tpu.scan <max>, %select_n3A_397 masked %reduce_max3A_399 : vector<16xf32>, vector<16xi1> -> vector<16xf32>
        %reduce_max3A_401 = vector.extract %reduce_max3A_400[15] : f32 from vector<16xf32>
        %eq3A_402 = vector.broadcast %reduce_max3A_401 : f32 to vector<16xf32>
        %eq3A_403 = arith.cmpf oeq, %select_n3A_397, %eq3A_402 : vector<16xf32>
        %jit3A_404 = arith.constant 16 : i32
        %broadcast_in_dim3A_405 = vector.broadcast %jit3A_404 : i32 to vector<16xi32>
        %select_n3A_406 = arith.select %eq3A_403, %iota3A, %broadcast_in_dim3A_405 : vector<16xi1>, vector<16xi32>
        %reduce_min3A_407 = arith.constant true
        %reduce_min3A_408 = vector.broadcast %reduce_min3A_407 : i1 to vector<16xi1>
        %reduce_min3A_409 = arith.constant -2147483648 : i32
        %reduce_min3A_410 = vector.broadcast %reduce_min3A_409 : i32 to vector<16xi32>
        %reduce_min3A_411 = arith.xori %select_n3A_406, %reduce_min3A_410 : vector<16xi32>
        %reduce_min3A_412 = tpu.scan <min>, %reduce_min3A_411 masked %reduce_min3A_408 : vector<16xi32>, vector<16xi1> -> vector<16xi32>
        %reduce_min3A_413 = arith.xori %reduce_min3A_412, %reduce_min3A_410 : vector<16xi32>
        %reduce_min3A_414 = vector.extract %reduce_min3A_413[15] : i32 from vector<16xi32>
        %eq3A_415 = arith.constant 0 : i32
        %eq3A_416 = vector.broadcast %eq3A_415 : i32 to vector<16xi32>
        %eq3A_417 = arith.cmpi eq, %iota3A, %eq3A_416 : vector<16xi32>
        %eq3A_418 = arith.constant 1 : i32
        %eq3A_419 = vector.broadcast %eq3A_418 : i32 to vector<16xi32>
        %eq3A_420 = arith.cmpi eq, %iota3A, %eq3A_419 : vector<16xi32>
        %jit3A_421 = arith.constant 0 : i32
        %broadcast_in_dim3A_422 = vector.broadcast %reduce_min3A_414 : i32 to vector<16xi32>
        %broadcast_in_dim3A_423 = vector.broadcast %jit3A_421 : i32 to vector<16xi32>
        %select_n3A_424 = arith.select %eq3A_420, %broadcast_in_dim3A_422, %broadcast_in_dim3A_423 : vector<16xi1>, vector<16xi32>
        %broadcast_in_dim3A_425 = vector.broadcast %reduce_min3A_392 : i32 to vector<16xi32>
        %select_n3A_426 = arith.select %eq3A_417, %broadcast_in_dim3A_425, %select_n3A_424 : vector<16xi1>, vector<16xi32>
        %swap3A_427 = arith.constant 0 : i32
        %swap3A_428 = arith.constant 0 : i32
        %swap3A_429 = tpu.memref_slice %run_scoped3A_10[%rem3A_170, %swap3A_427, %swap3A_428] : memref<2x4x16xi32, #tpu.memory_space<vmem>> -> memref<1x4x16xi32, #tpu.memory_space<vmem>>
        %swap3A_430 = tpu.memref_squeeze %swap3A_429 : memref<1x4x16xi32, #tpu.memory_space<vmem>> -> memref<4x16xi32, #tpu.memory_space<vmem>>
        %swap3A_431 = arith.index_cast %add3A_357 : i32 to index
        %swap3A_432 = arith.constant 0 : index
        %swap3A_433 = tpu.vector_load %swap3A_430[%swap3A_431, %swap3A_432] {strides = array<i32>} : memref<4x16xi32, #tpu.memory_space<vmem>>, vector<16xi32>,
        tpu.vector_store %swap3A_430[%swap3A_431, %swap3A_432], %select_n3A_426 {strides = array<i32>} : memref<4x16xi32, #tpu.memory_space<vmem>>, vector<16xi32>,
      }
      %scan3A_175 = arith.constant 4 : i32
      "tpu.trace_stop"() : () -> ()
      %ne3A_176 = arith.cmpi ne, %add3A_76, %add3A_96 : i32
      %or3A_177 = arith.constant false
      %or3A_178 = arith.ori %or3A_177, %ne3A_176 : i1
      %or3A_179 = arith.constant false
      %or3A_180 = arith.ori %or3A_178, %or3A_179 : i1
      %or3A_181 = arith.ori %or3A_180, %eq3A_74 : i1
      %convert_element_type3A_182 = arith.extui %or3A_181 : i1 to i32
      %cond3A_183 = arith.constant 0 : i32
      %cond3A_184 = arith.cmpi ne, %convert_element_type3A_182, %cond3A_183 : i32
      scf.if %cond3A_184 {
      } else {
      }
      %and3A_185 = arith.constant false
      %and3A_186 = arith.andi %or3A_181, %and3A_185 : i1
      %ne3A_187 = arith.cmpi ne, %add3A_76, %add3A_96 : i32
      %or3A_188 = arith.constant false
      %or3A_189 = arith.ori %or3A_188, %ne3A_187 : i1
      %or3A_190 = arith.constant false
      %or3A_191 = arith.ori %or3A_189, %or3A_190 : i1
      %or3A_192 = arith.ori %or3A_191, %eq3A_74 : i1
      %convert_element_type3A_193 = arith.extui %or3A_192 : i1 to i32
      %cond3A_194 = arith.constant 0 : i32
      %cond3A_195 = arith.cmpi ne, %convert_element_type3A_193, %cond3A_194 : i32
      scf.if %cond3A_195 {
        "tpu.trace_start"() <{level = 10 : i32, message = "ep_copy_out"}> : () -> ()
        %rem3A_353 = arith.constant 2 : i32
        %rem3A_354 = arith.remui %scan3A_65, %rem3A_353 : i32
        %mul3A_355 = arith.constant 4 : i32
        %mul3A_356 = arith.muli %mul3A_355, %add3A_76 : i32
        %dma_start3A_357 = arith.constant 0 : i32
        %dma_start3A_358 = arith.constant 0 : i32
        %dma_start3A_359 = tpu.memref_slice %run_scoped3A_8[%rem3A_354, %dma_start3A_357, %dma_start3A_358] : memref<2x4x16xf32, #tpu.memory_space<vmem>> -> memref<1x4x16xf32, #tpu.memory_space<vmem>>
        %dma_start3A_360 = tpu.memref_squeeze %dma_start3A_359 : memref<1x4x16xf32, #tpu.memory_space<vmem>> -> memref<4x16xf32, #tpu.memory_space<vmem>>
        %dma_start3A_361 = arith.constant 0 : i32
        %dma_start3A_362 = tpu.memref_slice %arg3[%mul3A_356, %dma_start3A_361] : memref<128x16xf32, #tpu.memory_space<hbm>> -> memref<4x16xf32, #tpu.memory_space<hbm>>
        %dma_start3A_363 = tpu.memref_slice %run_scoped3A_9[%rem3A_354] : memref<2x!tpu.dma_semaphore, #tpu.memory_space<semaphore_mem>> -> memref<1x!tpu.dma_semaphore, #tpu.memory_space<semaphore_mem>>
        %dma_start3A_364 = tpu.memref_squeeze %dma_start3A_363 : memref<1x!tpu.dma_semaphore, #tpu.memory_space<semaphore_mem>> -> memref<!tpu.dma_semaphore, #tpu.memory_space<semaphore_mem>>
        %dma_start3A_365 = arith.constant 0 : i32
        %dma_start3A_366 = tpu.memref_slice %arg3[%mul3A_356, %dma_start3A_365] : memref<128x16xf32, #tpu.memory_space<hbm>> -> memref<4x16xf32, #tpu.memory_space<hbm>>
        %dma_start3A_367 = arith.constant 0 : i32
        %dma_start3A_368 = arith.constant 0 : i32
        %dma_start3A_369 = tpu.memref_slice %run_scoped3A_8[%rem3A_354, %dma_start3A_367, %dma_start3A_368] : memref<2x4x16xf32, #tpu.memory_space<vmem>> -> memref<1x4x16xf32, #tpu.memory_space<vmem>>
        %dma_start3A_370 = tpu.memref_squeeze %dma_start3A_369 : memref<1x4x16xf32, #tpu.memory_space<vmem>> -> memref<4x16xf32, #tpu.memory_space<vmem>>
        tpu.enqueue_dma source(%dma_start3A_370 : memref<4x16xf32, #tpu.memory_space<vmem>>) target(%dma_start3A_366 : memref<4x16xf32, #tpu.memory_space<hbm>>) target_semaphore(%dma_start3A_364 : memref<!tpu.dma_semaphore, #tpu.memory_space<semaphore_mem>>)
        "tpu.trace_stop"() : () -> ()
      } else {
      }
      %and3A_196 = arith.constant true
      %and3A_197 = arith.andi %or3A_192, %and3A_196 : i1
      %add3A_198 = arith.constant 1 : i32
      %add3A_199 = arith.addi %scan3A_65, %add3A_198 : i32
      %select_n3A_200 = arith.select %and3A_197, %add3A_199, %scan3A_65 : i32
      %ne3A_201 = arith.cmpi ne, %add3A_76, %add3A_96 : i32
      %or3A_202 = arith.constant false
      %or3A_203 = arith.ori %or3A_202, %ne3A_201 : i1
      %or3A_204 = arith.constant false
      %or3A_205 = arith.ori %or3A_203, %or3A_204 : i1
      %or3A_206 = arith.ori %or3A_205, %eq3A_74 : i1
      %convert_element_type3A_207 = arith.extui %or3A_206 : i1 to i32
      %cond3A_208 = arith.constant 0 : i32
      %cond3A_209 = arith.cmpi ne, %convert_element_type3A_207, %cond3A_208 : i32
      scf.if %cond3A_209 {
        "tpu.trace_start"() <{level = 10 : i32, message = "ep_copy_out"}> : () -> ()
        %rem3A_353 = arith.constant 2 : i32
        %rem3A_354 = arith.remui %scan3A_67, %rem3A_353 : i32
        %mul3A_355 = arith.constant 4 : i32
        %mul3A_356 = arith.muli %mul3A_355, %add3A_76 : i32
        %dma_start3A_357 = arith.constant 0 : i32
        %dma_start3A_358 = arith.constant 0 : i32
        %dma_start3A_359 = tpu.memref_slice %run_scoped3A_10[%rem3A_354, %dma_start3A_357, %dma_start3A_358] : memref<2x4x16xi32, #tpu.memory_space<vmem>> -> memref<1x4x16xi32, #tpu.memory_space<vmem>>
        %dma_start3A_360 = tpu.memref_squeeze %dma_start3A_359 : memref<1x4x16xi32, #tpu.memory_space<vmem>> -> memref<4x16xi32, #tpu.memory_space<vmem>>
        %dma_start3A_361 = arith.constant 0 : i32
        %dma_start3A_362 = tpu.memref_slice %arg4[%mul3A_356, %dma_start3A_361] : memref<128x16xi32, #tpu.memory_space<hbm>> -> memref<4x16xi32, #tpu.memory_space<hbm>>
        %dma_start3A_363 = tpu.memref_slice %run_scoped3A_11[%rem3A_354] : memref<2x!tpu.dma_semaphore, #tpu.memory_space<semaphore_mem>> -> memref<1x!tpu.dma_semaphore, #tpu.memory_space<semaphore_mem>>
        %dma_start3A_364 = tpu.memref_squeeze %dma_start3A_363 : memref<1x!tpu.dma_semaphore, #tpu.memory_space<semaphore_mem>> -> memref<!tpu.dma_semaphore, #tpu.memory_space<semaphore_mem>>
        %dma_start3A_365 = arith.constant 0 : i32
        %dma_start3A_366 = tpu.memref_slice %arg4[%mul3A_356, %dma_start3A_365] : memref<128x16xi32, #tpu.memory_space<hbm>> -> memref<4x16xi32, #tpu.memory_space<hbm>>
        %dma_start3A_367 = arith.constant 0 : i32
        %dma_start3A_368 = arith.constant 0 : i32
        %dma_start3A_369 = tpu.memref_slice %run_scoped3A_10[%rem3A_354, %dma_start3A_367, %dma_start3A_368] : memref<2x4x16xi32, #tpu.memory_space<vmem>> -> memref<1x4x16xi32, #tpu.memory_space<vmem>>
        %dma_start3A_370 = tpu.memref_squeeze %dma_start3A_369 : memref<1x4x16xi32, #tpu.memory_space<vmem>> -> memref<4x16xi32, #tpu.memory_space<vmem>>
        tpu.enqueue_dma source(%dma_start3A_370 : memref<4x16xi32, #tpu.memory_space<vmem>>) target(%dma_start3A_366 : memref<4x16xi32, #tpu.memory_space<hbm>>) target_semaphore(%dma_start3A_364 : memref<!tpu.dma_semaphore, #tpu.memory_space<semaphore_mem>>)
        "tpu.trace_stop"() : () -> ()
      } else {
      }
      %and3A_210 = arith.constant true
      %and3A_211 = arith.andi %or3A_206, %and3A_210 : i1
      %add3A_212 = arith.constant 1 : i32
      %add3A_213 = arith.addi %scan3A_67, %add3A_212 : i32
      %select_n3A_214 = arith.select %and3A_211, %add3A_213, %scan3A_67 : i32
      %ne3A_215 = arith.cmpi ne, %add3A_76, %add3A_86 : i32
      %or3A_216 = arith.constant false
      %or3A_217 = arith.ori %or3A_216, %ne3A_215 : i1
      %or3A_218 = arith.constant false
      %or3A_219 = arith.ori %or3A_217, %or3A_218 : i1
      %not3A_220 = arith.constant true
      %not3A_221 = arith.xori %eq3A_72, %not3A_220 : i1
      %and3A_222 = arith.andi %or3A_219, %not3A_221 : i1
      %convert_element_type3A_223 = arith.extui %and3A_222 : i1 to i32
      %cond3A_224 = arith.constant 0 : i32
      %cond3A_225 = arith.cmpi ne, %convert_element_type3A_223, %cond3A_224 : i32
      scf.if %cond3A_225 {
      } else {
      }
      %and3A_226 = arith.constant false
      %and3A_227 = arith.andi %and3A_222, %and3A_226 : i1
      %ne3A_228 = arith.cmpi ne, %add3A_76, %add3A_86 : i32
      %or3A_229 = arith.constant false
      %or3A_230 = arith.ori %or3A_229, %ne3A_228 : i1
      %or3A_231 = arith.constant false
      %or3A_232 = arith.ori %or3A_230, %or3A_231 : i1
      %not3A_233 = arith.constant true
      %not3A_234 = arith.xori %eq3A_72, %not3A_233 : i1
      %and3A_235 = arith.andi %or3A_232, %not3A_234 : i1
      %convert_element_type3A_236 = arith.extui %and3A_235 : i1 to i32
      %cond3A_237 = arith.constant 0 : i32
      %cond3A_238 = arith.cmpi ne, %convert_element_type3A_236, %cond3A_237 : i32
      scf.if %cond3A_238 {
        "tpu.trace_start"() <{level = 10 : i32, message = "ep_wait_out"}> : () -> ()
        %rem3A_353 = arith.constant 2 : i32
        %rem3A_354 = arith.remui %scan3A_66, %rem3A_353 : i32
        %mul3A_355 = arith.constant 4 : i32
        %mul3A_356 = arith.muli %mul3A_355, %add3A_86 : i32
        %dma_wait3A_357 = arith.constant 0 : i32
        %dma_wait3A_358 = arith.constant 0 : i32
        %dma_wait3A_359 = tpu.memref_slice %run_scoped3A_8[%rem3A_354, %dma_wait3A_357, %dma_wait3A_358] : memref<2x4x16xf32, #tpu.memory_space<vmem>> -> memref<1x4x16xf32, #tpu.memory_space<vmem>>
        %dma_wait3A_360 = tpu.memref_squeeze %dma_wait3A_359 : memref<1x4x16xf32, #tpu.memory_space<vmem>> -> memref<4x16xf32, #tpu.memory_space<vmem>>
        %dma_wait3A_361 = arith.constant 0 : i32
        %dma_wait3A_362 = tpu.memref_slice %arg3[%mul3A_356, %dma_wait3A_361] : memref<128x16xf32, #tpu.memory_space<hbm>> -> memref<4x16xf32, #tpu.memory_space<hbm>>
        %dma_wait3A_363 = tpu.memref_slice %run_scoped3A_9[%rem3A_354] : memref<2x!tpu.dma_semaphore, #tpu.memory_space<semaphore_mem>> -> memref<1x!tpu.dma_semaphore, #tpu.memory_space<semaphore_mem>>
        %dma_wait3A_364 = tpu.memref_squeeze %dma_wait3A_363 : memref<1x!tpu.dma_semaphore, #tpu.memory_space<semaphore_mem>> -> memref<!tpu.dma_semaphore, #tpu.memory_space<semaphore_mem>>
        %dma_wait3A_365 = arith.constant 0 : i32
        %dma_wait3A_366 = tpu.memref_slice %arg3[%mul3A_356, %dma_wait3A_365] : memref<128x16xf32, #tpu.memory_space<hbm>> -> memref<4x16xf32, #tpu.memory_space<hbm>>
        %dma_wait3A_367 = arith.constant 0 : i32
        %dma_wait3A_368 = arith.constant 0 : i32
        %dma_wait3A_369 = tpu.memref_slice %run_scoped3A_8[%rem3A_354, %dma_wait3A_367, %dma_wait3A_368] : memref<2x4x16xf32, #tpu.memory_space<vmem>> -> memref<1x4x16xf32, #tpu.memory_space<vmem>>
        %dma_wait3A_370 = tpu.memref_squeeze %dma_wait3A_369 : memref<1x4x16xf32, #tpu.memory_space<vmem>> -> memref<4x16xf32, #tpu.memory_space<vmem>>
        tpu.wait_dma2 semaphore(%dma_wait3A_364 : memref<!tpu.dma_semaphore, #tpu.memory_space<semaphore_mem>>) src(%dma_wait3A_370 : memref<4x16xf32, #tpu.memory_space<vmem>>) dst(%dma_wait3A_366 : memref<4x16xf32, #tpu.memory_space<hbm>>)
        "tpu.trace_stop"() : () -> ()
      } else {
      }
      %and3A_239 = arith.constant true
      %and3A_240 = arith.andi %and3A_235, %and3A_239 : i1
      %add3A_241 = arith.constant 1 : i32
      %add3A_242 = arith.addi %scan3A_66, %add3A_241 : i32
      %select_n3A_243 = arith.select %and3A_240, %add3A_242, %scan3A_66 : i32
      %ne3A_244 = arith.cmpi ne, %add3A_76, %add3A_86 : i32
      %or3A_245 = arith.constant false
      %or3A_246 = arith.ori %or3A_245, %ne3A_244 : i1
      %or3A_247 = arith.constant false
      %or3A_248 = arith.ori %or3A_246, %or3A_247 : i1
      %not3A_249 = arith.constant true
      %not3A_250 = arith.xori %eq3A_72, %not3A_249 : i1
      %and3A_251 = arith.andi %or3A_248, %not3A_250 : i1
      %convert_element_type3A_252 = arith.extui %and3A_251 : i1 to i32
      %cond3A_253 = arith.constant 0 : i32
      %cond3A_254 = arith.cmpi ne, %convert_element_type3A_252, %cond3A_253 : i32
      scf.if %cond3A_254 {
        "tpu.trace_start"() <{level = 10 : i32, message = "ep_wait_out"}> : () -> ()
        %rem3A_353 = arith.constant 2 : i32
        %rem3A_354 = arith.remui %scan3A_68, %rem3A_353 : i32
        %mul3A_355 = arith.constant 4 : i32
        %mul3A_356 = arith.muli %mul3A_355, %add3A_86 : i32
        %dma_wait3A_357 = arith.constant 0 : i32
        %dma_wait3A_358 = arith.constant 0 : i32
        %dma_wait3A_359 = tpu.memref_slice %run_scoped3A_10[%rem3A_354, %dma_wait3A_357, %dma_wait3A_358] : memref<2x4x16xi32, #tpu.memory_space<vmem>> -> memref<1x4x16xi32, #tpu.memory_space<vmem>>
        %dma_wait3A_360 = tpu.memref_squeeze %dma_wait3A_359 : memref<1x4x16xi32, #tpu.memory_space<vmem>> -> memref<4x16xi32, #tpu.memory_space<vmem>>
        %dma_wait3A_361 = arith.constant 0 : i32
        %dma_wait3A_362 = tpu.memref_slice %arg4[%mul3A_356, %dma_wait3A_361] : memref<128x16xi32, #tpu.memory_space<hbm>> -> memref<4x16xi32, #tpu.memory_space<hbm>>
        %dma_wait3A_363 = tpu.memref_slice %run_scoped3A_11[%rem3A_354] : memref<2x!tpu.dma_semaphore, #tpu.memory_space<semaphore_mem>> -> memref<1x!tpu.dma_semaphore, #tpu.memory_space<semaphore_mem>>
        %dma_wait3A_364 = tpu.memref_squeeze %dma_wait3A_363 : memref<1x!tpu.dma_semaphore, #tpu.memory_space<semaphore_mem>> -> memref<!tpu.dma_semaphore, #tpu.memory_space<semaphore_mem>>
        %dma_wait3A_365 = arith.constant 0 : i32
        %dma_wait3A_366 = tpu.memref_slice %arg4[%mul3A_356, %dma_wait3A_365] : memref<128x16xi32, #tpu.memory_space<hbm>> -> memref<4x16xi32, #tpu.memory_space<hbm>>
        %dma_wait3A_367 = arith.constant 0 : i32
        %dma_wait3A_368 = arith.constant 0 : i32
        %dma_wait3A_369 = tpu.memref_slice %run_scoped3A_10[%rem3A_354, %dma_wait3A_367, %dma_wait3A_368] : memref<2x4x16xi32, #tpu.memory_space<vmem>> -> memref<1x4x16xi32, #tpu.memory_space<vmem>>
        %dma_wait3A_370 = tpu.memref_squeeze %dma_wait3A_369 : memref<1x4x16xi32, #tpu.memory_space<vmem>> -> memref<4x16xi32, #tpu.memory_space<vmem>>
        tpu.wait_dma2 semaphore(%dma_wait3A_364 : memref<!tpu.dma_semaphore, #tpu.memory_space<semaphore_mem>>) src(%dma_wait3A_370 : memref<4x16xi32, #tpu.memory_space<vmem>>) dst(%dma_wait3A_366 : memref<4x16xi32, #tpu.memory_space<hbm>>)
        "tpu.trace_stop"() : () -> ()
      } else {
      }
      %and3A_255 = arith.constant true
      %and3A_256 = arith.andi %and3A_251, %and3A_255 : i1
      %add3A_257 = arith.constant 1 : i32
      %add3A_258 = arith.addi %scan3A_68, %add3A_257 : i32
      %select_n3A_259 = arith.select %and3A_256, %add3A_258, %scan3A_68 : i32
      %ne3A_260 = arith.cmpi ne, %add3A_76, %add3A_96 : i32
      %or3A_261 = arith.constant false
      %or3A_262 = arith.ori %or3A_261, %ne3A_260 : i1
      %or3A_263 = arith.constant false
      %or3A_264 = arith.ori %or3A_262, %or3A_263 : i1
      %or3A_265 = arith.ori %or3A_264, %eq3A_74 : i1
      %add3A_266 = arith.constant 1 : i32
      %add3A_267 = arith.addi %scan3A, %add3A_266 : i32
      %select_n3A_268 = arith.select %or3A_265, %add3A_267, %scan3A : i32
      %select_n3A_269 = arith.constant true
      %select_n3A_270 = arith.constant 0 : i32
      %select_n3A_271 = arith.constant 1 : i32
      %select_n3A_272 = arith.select %select_n3A_269, %select_n3A_271, %select_n3A_270 : i32
      %eq3A_273 = arith.constant 1 : i32
      %eq3A_274 = arith.cmpi eq, %select_n3A_272, %eq3A_273 : i32
      %select_n3A_275 = arith.constant 0 : i32
      %select_n3A_276 = arith.select %eq3A_274, %select_n3A_275, %select_n3A_272 : i32
      %scan3A_277 = arith.constant 0 : i32
      %scan3A_278 = arith.constant 1 : i32
      %sub3A = arith.constant 1 : i32
      %sub3A_279 = arith.subi %scan3A_277, %sub3A : i32
      %select_n3A_280 = arith.constant true
      %select_n3A_281 = arith.select %select_n3A_280, %sub3A_279, %scan3A_277 : i32
      %eq3A_282 = arith.constant -1 : i32
      %eq3A_283 = arith.cmpi eq, %select_n3A_281, %eq3A_282 : i32
      %select_n3A_284 = arith.constant 0 : i32
      %select_n3A_285 = arith.select %eq3A_283, %select_n3A_284, %select_n3A_281 : i32
      %add3A_286 = arith.constant 0 : i32
      %add3A_287 = arith.addi %add3A_286, %mul3A_6 : i32
      %select_n3A_288 = arith.constant true
      %select_n3A_289 = arith.constant 0 : i32
      %select_n3A_290 = arith.constant -1 : i32
      %select_n3A_291 = arith.select %select_n3A_288, %select_n3A_290, %select_n3A_289 : i32
      %eq3A_292 = arith.constant -1 : i32
      %eq3A_293 = arith.cmpi eq, %select_n3A_291, %eq3A_292 : i32
      %select_n3A_294 = arith.constant 0 : i32
      %select_n3A_295 = arith.select %eq3A_293, %select_n3A_294, %select_n3A_291 : i32
      %add3A_296 = arith.constant 0 : i32
      %add3A_297 = arith.addi %add3A_296, %mul3A_6 : i32
      %select_n3A_298 = arith.constant true
      %select_n3A_299 = arith.constant 0 : i32
      %select_n3A_300 = arith.constant 1 : i32
      %select_n3A_301 = arith.select %select_n3A_298, %select_n3A_300, %select_n3A_299 : i32
      %eq3A_302 = arith.constant 1 : i32
      %eq3A_303 = arith.cmpi eq, %select_n3A_301, %eq3A_302 : i32
      %select_n3A_304 = arith.constant 0 : i32
      %select_n3A_305 = arith.select %eq3A_303, %select_n3A_304, %select_n3A_301 : i32
      %add3A_306 = arith.constant 0 : i32
      %add3A_307 = arith.addi %add3A_306, %mul3A_6 : i32
      %select_n3A_308 = arith.constant true
      %select_n3A_309 = arith.constant 0 : i32
      %select_n3A_310 = arith.constant 1 : i32
      %select_n3A_311 = arith.select %select_n3A_308, %select_n3A_310, %select_n3A_309 : i32
      %eq3A_312 = arith.constant 1 : i32
      %eq3A_313 = arith.cmpi eq, %select_n3A_311, %eq3A_312 : i32
      %select_n3A_314 = arith.constant 0 : i32
      %select_n3A_315 = arith.select %eq3A_313, %select_n3A_314, %select_n3A_311 : i32
      %add3A_316 = arith.constant 0 : i32
      %add3A_317 = arith.addi %add3A_316, %mul3A_6 : i32
      "tpu.trace_start"() <{level = 10 : i32, message = "ep_finalize"}> : () -> ()
      %rem3A_318 = arith.constant 2 : i32
      %rem3A_319 = arith.remui %select_n3A_243, %rem3A_318 : i32
      %mul3A_320 = arith.constant 4 : i32
      %mul3A_321 = arith.muli %mul3A_320, %add3A_287 : i32
      %dma_wait3A = arith.constant 0 : i32
      %dma_wait3A_322 = arith.constant 0 : i32
      %dma_wait3A_323 = tpu.memref_slice %run_scoped3A_8[%rem3A_319, %dma_wait3A, %dma_wait3A_322] : memref<2x4x16xf32, #tpu.memory_space<vmem>> -> memref<1x4x16xf32, #tpu.memory_space<vmem>>
      %dma_wait3A_324 = tpu.memref_squeeze %dma_wait3A_323 : memref<1x4x16xf32, #tpu.memory_space<vmem>> -> memref<4x16xf32, #tpu.memory_space<vmem>>
      %dma_wait3A_325 = arith.constant 0 : i32
      %dma_wait3A_326 = tpu.memref_slice %arg3[%mul3A_321, %dma_wait3A_325] : memref<128x16xf32, #tpu.memory_space<hbm>> -> memref<4x16xf32, #tpu.memory_space<hbm>>
      %dma_wait3A_327 = tpu.memref_slice %run_scoped3A_9[%rem3A_319] : memref<2x!tpu.dma_semaphore, #tpu.memory_space<semaphore_mem>> -> memref<1x!tpu.dma_semaphore, #tpu.memory_space<semaphore_mem>>
      %dma_wait3A_328 = tpu.memref_squeeze %dma_wait3A_327 : memref<1x!tpu.dma_semaphore, #tpu.memory_space<semaphore_mem>> -> memref<!tpu.dma_semaphore, #tpu.memory_space<semaphore_mem>>
      %dma_wait3A_329 = arith.constant 0 : i32
      %dma_wait3A_330 = tpu.memref_slice %arg3[%mul3A_321, %dma_wait3A_329] : memref<128x16xf32, #tpu.memory_space<hbm>> -> memref<4x16xf32, #tpu.memory_space<hbm>>
      %dma_wait3A_331 = arith.constant 0 : i32
      %dma_wait3A_332 = arith.constant 0 : i32
      %dma_wait3A_333 = tpu.memref_slice %run_scoped3A_8[%rem3A_319, %dma_wait3A_331, %dma_wait3A_332] : memref<2x4x16xf32, #tpu.memory_space<vmem>> -> memref<1x4x16xf32, #tpu.memory_space<vmem>>
      %dma_wait3A_334 = tpu.memref_squeeze %dma_wait3A_333 : memref<1x4x16xf32, #tpu.memory_space<vmem>> -> memref<4x16xf32, #tpu.memory_space<vmem>>
      tpu.wait_dma2 semaphore(%dma_wait3A_328 : memref<!tpu.dma_semaphore, #tpu.memory_space<semaphore_mem>>) src(%dma_wait3A_334 : memref<4x16xf32, #tpu.memory_space<vmem>>) dst(%dma_wait3A_330 : memref<4x16xf32, #tpu.memory_space<hbm>>)
      %rem3A_335 = arith.constant 2 : i32
      %rem3A_336 = arith.remui %select_n3A_259, %rem3A_335 : i32
      %mul3A_337 = arith.constant 4 : i32
      %mul3A_338 = arith.muli %mul3A_337, %add3A_287 : i32
      %dma_wait3A_339 = arith.constant 0 : i32
      %dma_wait3A_340 = arith.constant 0 : i32
      %dma_wait3A_341 = tpu.memref_slice %run_scoped3A_10[%rem3A_336, %dma_wait3A_339, %dma_wait3A_340] : memref<2x4x16xi32, #tpu.memory_space<vmem>> -> memref<1x4x16xi32, #tpu.memory_space<vmem>>
      %dma_wait3A_342 = tpu.memref_squeeze %dma_wait3A_341 : memref<1x4x16xi32, #tpu.memory_space<vmem>> -> memref<4x16xi32, #tpu.memory_space<vmem>>
      %dma_wait3A_343 = arith.constant 0 : i32
      %dma_wait3A_344 = tpu.memref_slice %arg4[%mul3A_338, %dma_wait3A_343] : memref<128x16xi32, #tpu.memory_space<hbm>> -> memref<4x16xi32, #tpu.memory_space<hbm>>
      %dma_wait3A_345 = tpu.memref_slice %run_scoped3A_11[%rem3A_336] : memref<2x!tpu.dma_semaphore, #tpu.memory_space<semaphore_mem>> -> memref<1x!tpu.dma_semaphore, #tpu.memory_space<semaphore_mem>>
      %dma_wait3A_346 = tpu.memref_squeeze %dma_wait3A_345 : memref<1x!tpu.dma_semaphore, #tpu.memory_space<semaphore_mem>> -> memref<!tpu.dma_semaphore, #tpu.memory_space<semaphore_mem>>
      %dma_wait3A_347 = arith.constant 0 : i32
      %dma_wait3A_348 = tpu.memref_slice %arg4[%mul3A_338, %dma_wait3A_347] : memref<128x16xi32, #tpu.memory_space<hbm>> -> memref<4x16xi32, #tpu.memory_space<hbm>>
      %dma_wait3A_349 = arith.constant 0 : i32
      %dma_wait3A_350 = arith.constant 0 : i32
      %dma_wait3A_351 = tpu.memref_slice %run_scoped3A_10[%rem3A_336, %dma_wait3A_349, %dma_wait3A_350] : memref<2x4x16xi32, #tpu.memory_space<vmem>> -> memref<1x4x16xi32, #tpu.memory_space<vmem>>
      %dma_wait3A_352 = tpu.memref_squeeze %dma_wait3A_351 : memref<1x4x16xi32, #tpu.memory_space<vmem>> -> memref<4x16xi32, #tpu.memory_space<vmem>>
      tpu.wait_dma2 semaphore(%dma_wait3A_346 : memref<!tpu.dma_semaphore, #tpu.memory_space<semaphore_mem>>) src(%dma_wait3A_352 : memref<4x16xi32, #tpu.memory_space<vmem>>) dst(%dma_wait3A_348 : memref<4x16xi32, #tpu.memory_space<hbm>>)
      "tpu.trace_stop"() : () -> ()
      tpu.yield
    }) : () -> ()
    return
  }
}

module attributes {stable_mosaic.version = 14 : i64} {
  func.func @_gx_body(%arg0: memref<128x1024xf32, #tpu.memory_space<vmem>>, %arg1: memref<16x1024xf32, #tpu.memory_space<vmem>>, %arg2: memref<128x16xf32, #tpu.memory_space<vmem>>) attributes {dimension_semantics = [], scalar_prefetch = 0 : i64, scratch_operands = 0 : i64, tpu.core_type = #tpu.core_type<tc>} {
    %get3A = arith.constant 0 : index
    %get3A_0 = arith.constant 0 : index
    %get3A_1 = vector.load %arg0[%get3A, %get3A_0] : memref<128x1024xf32, #tpu.memory_space<vmem>>, vector<128x1024xf32>
    %get3A_2 = arith.constant 0 : index
    %get3A_3 = arith.constant 0 : index
    %get3A_4 = vector.load %arg1[%get3A_2, %get3A_3] : memref<16x1024xf32, #tpu.memory_space<vmem>>, vector<16x1024xf32>
    %dot_general3A = arith.constant dense<0.000000e+00> : vector<128x16xf32>
    %dot_general3A_5 = tpu.matmul %get3A_1, %get3A_4, %dot_general3A {dimension_numbers = #tpu.dot_dimension_numbers<[1], [1], [0], [0], [0, 0, 1, 0], [], []>, transpose_lhs_hint = false} : vector<128x1024xf32>, vector<16x1024xf32>, vector<128x16xf32> -> vector<128x16xf32>
    %swap3A = arith.constant 0 : index
    %swap3A_6 = arith.constant 0 : index
    %swap3A_7 = vector.load %arg2[%swap3A, %swap3A_6] : memref<128x16xf32, #tpu.memory_space<vmem>>, vector<128x16xf32>
    tpu.vector_store %arg2[%swap3A, %swap3A_6], %dot_general3A_5 {strides = array<i32>} : memref<128x16xf32, #tpu.memory_space<vmem>>, vector<128x16xf32>,
    return
  }
}

module attributes {stable_mosaic.version = 14 : i64} {
  func.func @_moe_body(%arg0: memref<128x1024xf32, #tpu.memory_space<vmem>>, %arg1: memref<16x1024xf32, #tpu.memory_space<vmem>>, %arg2: memref<16x2048x1024xf32, #tpu.memory_space<hbm>>, %arg3: memref<16x1x2048xf32, #tpu.memory_space<vmem>>, %arg4: memref<16x1024x2048xf32, #tpu.memory_space<hbm>>, %arg5: memref<16x1x1024xf32, #tpu.memory_space<vmem>>, %arg6: memref<128x1024xf32, #tpu.memory_space<vmem>>, %arg7: memref<3x2048x1024xf32, #tpu.memory_space<vmem>>, %arg8: memref<3x1024x2048xf32, #tpu.memory_space<vmem>>, %arg9: memref<128x16xf32, #tpu.memory_space<vmem>>, %arg10: memref<3x!tpu.dma_semaphore, #tpu.memory_space<semaphore_mem>>, %arg11: memref<3x!tpu.dma_semaphore, #tpu.memory_space<semaphore_mem>>) attributes {dimension_semantics = [], scalar_prefetch = 0 : i64, scratch_operands = 5 : i64, tpu.core_type = #tpu.core_type<tc>} {
    %dma_start3A = arith.constant 0 : i32
    %dma_start3A_0 = arith.constant 0 : i32
    %dma_start3A_1 = arith.constant 0 : i32
    %dma_start3A_2 = tpu.memref_slice %arg10[%dma_start3A_1] : memref<3x!tpu.dma_semaphore, #tpu.memory_space<semaphore_mem>> -> memref<1x!tpu.dma_semaphore, #tpu.memory_space<semaphore_mem>>
    %dma_start3A_3 = tpu.memref_squeeze %dma_start3A_2 : memref<1x!tpu.dma_semaphore, #tpu.memory_space<semaphore_mem>> -> memref<!tpu.dma_semaphore, #tpu.memory_space<semaphore_mem>>
    %dma_start3A_4 = arith.constant 0 : i32
    %dma_start3A_5 = arith.constant 0 : i32
    %dma_start3A_6 = tpu.memref_slice %arg7[%dma_start3A_0, %dma_start3A_4, %dma_start3A_5] : memref<3x2048x1024xf32, #tpu.memory_space<vmem>> -> memref<1x2048x1024xf32, #tpu.memory_space<vmem>>
    %dma_start3A_7 = tpu.memref_squeeze %dma_start3A_6 : memref<1x2048x1024xf32, #tpu.memory_space<vmem>> -> memref<2048x1024xf32, #tpu.memory_space<vmem>>
    %dma_start3A_8 = arith.constant 0 : i32
    %dma_start3A_9 = arith.constant 0 : i32
    %dma_start3A_10 = tpu.memref_slice %arg2[%dma_start3A, %dma_start3A_8, %dma_start3A_9] : memref<16x2048x1024xf32, #tpu.memory_space<hbm>> -> memref<1x2048x1024xf32, #tpu.memory_space<hbm>>
    %dma_start3A_11 = tpu.memref_squeeze %dma_start3A_10 : memref<1x2048x1024xf32, #tpu.memory_space<hbm>> -> memref<2048x1024xf32, #tpu.memory_space<hbm>>
    tpu.enqueue_dma source(%dma_start3A_11 : memref<2048x1024xf32, #tpu.memory_space<hbm>>) target(%dma_start3A_7 : memref<2048x1024xf32, #tpu.memory_space<vmem>>) target_semaphore(%dma_start3A_3 : memref<!tpu.dma_semaphore, #tpu.memory_space<semaphore_mem>>)
    %dma_start3A_12 = arith.constant 0 : i32
    %dma_start3A_13 = arith.constant 0 : i32
    %dma_start3A_14 = arith.constant 0 : i32
    %dma_start3A_15 = tpu.memref_slice %arg11[%dma_start3A_14] : memref<3x!tpu.dma_semaphore, #tpu.memory_space<semaphore_mem>> -> memref<1x!tpu.dma_semaphore, #tpu.memory_space<semaphore_mem>>
    %dma_start3A_16 = tpu.memref_squeeze %dma_start3A_15 : memref<1x!tpu.dma_semaphore, #tpu.memory_space<semaphore_mem>> -> memref<!tpu.dma_semaphore, #tpu.memory_space<semaphore_mem>>
    %dma_start3A_17 = arith.constant 0 : i32
    %dma_start3A_18 = arith.constant 0 : i32
    %dma_start3A_19 = tpu.memref_slice %arg8[%dma_start3A_13, %dma_start3A_17, %dma_start3A_18] : memref<3x1024x2048xf32, #tpu.memory_space<vmem>> -> memref<1x1024x2048xf32, #tpu.memory_space<vmem>>
    %dma_start3A_20 = tpu.memref_squeeze %dma_start3A_19 : memref<1x1024x2048xf32, #tpu.memory_space<vmem>> -> memref<1024x2048xf32, #tpu.memory_space<vmem>>
    %dma_start3A_21 = arith.constant 0 : i32
    %dma_start3A_22 = arith.constant 0 : i32
    %dma_start3A_23 = tpu.memref_slice %arg4[%dma_start3A_12, %dma_start3A_21, %dma_start3A_22] : memref<16x1024x2048xf32, #tpu.memory_space<hbm>> -> memref<1x1024x2048xf32, #tpu.memory_space<hbm>>
    %dma_start3A_24 = tpu.memref_squeeze %dma_start3A_23 : memref<1x1024x2048xf32, #tpu.memory_space<hbm>> -> memref<1024x2048xf32, #tpu.memory_space<hbm>>
    tpu.enqueue_dma source(%dma_start3A_24 : memref<1024x2048xf32, #tpu.memory_space<hbm>>) target(%dma_start3A_20 : memref<1024x2048xf32, #tpu.memory_space<vmem>>) target_semaphore(%dma_start3A_16 : memref<!tpu.dma_semaphore, #tpu.memory_space<semaphore_mem>>)
    %dma_start3A_25 = arith.constant 1 : i32
    %dma_start3A_26 = arith.constant 1 : i32
    %dma_start3A_27 = arith.constant 1 : i32
    %dma_start3A_28 = tpu.memref_slice %arg10[%dma_start3A_27] : memref<3x!tpu.dma_semaphore, #tpu.memory_space<semaphore_mem>> -> memref<1x!tpu.dma_semaphore, #tpu.memory_space<semaphore_mem>>
    %dma_start3A_29 = tpu.memref_squeeze %dma_start3A_28 : memref<1x!tpu.dma_semaphore, #tpu.memory_space<semaphore_mem>> -> memref<!tpu.dma_semaphore, #tpu.memory_space<semaphore_mem>>
    %dma_start3A_30 = arith.constant 0 : i32
    %dma_start3A_31 = arith.constant 0 : i32
    %dma_start3A_32 = tpu.memref_slice %arg7[%dma_start3A_26, %dma_start3A_30, %dma_start3A_31] : memref<3x2048x1024xf32, #tpu.memory_space<vmem>> -> memref<1x2048x1024xf32, #tpu.memory_space<vmem>>
    %dma_start3A_33 = tpu.memref_squeeze %dma_start3A_32 : memref<1x2048x1024xf32, #tpu.memory_space<vmem>> -> memref<2048x1024xf32, #tpu.memory_space<vmem>>
    %dma_start3A_34 = arith.constant 0 : i32
    %dma_start3A_35 = arith.constant 0 : i32
    %dma_start3A_36 = tpu.memref_slice %arg2[%dma_start3A_25, %dma_start3A_34, %dma_start3A_35] : memref<16x2048x1024xf32, #tpu.memory_space<hbm>> -> memref<1x2048x1024xf32, #tpu.memory_space<hbm>>
    %dma_start3A_37 = tpu.memref_squeeze %dma_start3A_36 : memref<1x2048x1024xf32, #tpu.memory_space<hbm>> -> memref<2048x1024xf32, #tpu.memory_space<hbm>>
    tpu.enqueue_dma source(%dma_start3A_37 : memref<2048x1024xf32, #tpu.memory_space<hbm>>) target(%dma_start3A_33 : memref<2048x1024xf32, #tpu.memory_space<vmem>>) target_semaphore(%dma_start3A_29 : memref<!tpu.dma_semaphore, #tpu.memory_space<semaphore_mem>>)
    %dma_start3A_38 = arith.constant 1 : i32
    %dma_start3A_39 = arith.constant 1 : i32
    %dma_start3A_40 = arith.constant 1 : i32
    %dma_start3A_41 = tpu.memref_slice %arg11[%dma_start3A_40] : memref<3x!tpu.dma_semaphore, #tpu.memory_space<semaphore_mem>> -> memref<1x!tpu.dma_semaphore, #tpu.memory_space<semaphore_mem>>
    %dma_start3A_42 = tpu.memref_squeeze %dma_start3A_41 : memref<1x!tpu.dma_semaphore, #tpu.memory_space<semaphore_mem>> -> memref<!tpu.dma_semaphore, #tpu.memory_space<semaphore_mem>>
    %dma_start3A_43 = arith.constant 0 : i32
    %dma_start3A_44 = arith.constant 0 : i32
    %dma_start3A_45 = tpu.memref_slice %arg8[%dma_start3A_39, %dma_start3A_43, %dma_start3A_44] : memref<3x1024x2048xf32, #tpu.memory_space<vmem>> -> memref<1x1024x2048xf32, #tpu.memory_space<vmem>>
    %dma_start3A_46 = tpu.memref_squeeze %dma_start3A_45 : memref<1x1024x2048xf32, #tpu.memory_space<vmem>> -> memref<1024x2048xf32, #tpu.memory_space<vmem>>
    %dma_start3A_47 = arith.constant 0 : i32
    %dma_start3A_48 = arith.constant 0 : i32
    %dma_start3A_49 = tpu.memref_slice %arg4[%dma_start3A_38, %dma_start3A_47, %dma_start3A_48] : memref<16x1024x2048xf32, #tpu.memory_space<hbm>> -> memref<1x1024x2048xf32, #tpu.memory_space<hbm>>
    %dma_start3A_50 = tpu.memref_squeeze %dma_start3A_49 : memref<1x1024x2048xf32, #tpu.memory_space<hbm>> -> memref<1024x2048xf32, #tpu.memory_space<hbm>>
    tpu.enqueue_dma source(%dma_start3A_50 : memref<1024x2048xf32, #tpu.memory_space<hbm>>) target(%dma_start3A_46 : memref<1024x2048xf32, #tpu.memory_space<vmem>>) target_semaphore(%dma_start3A_42 : memref<!tpu.dma_semaphore, #tpu.memory_space<semaphore_mem>>)
    %dma_start3A_51 = arith.constant 2 : i32
    %dma_start3A_52 = arith.constant 2 : i32
    %dma_start3A_53 = arith.constant 2 : i32
    %dma_start3A_54 = tpu.memref_slice %arg10[%dma_start3A_53] : memref<3x!tpu.dma_semaphore, #tpu.memory_space<semaphore_mem>> -> memref<1x!tpu.dma_semaphore, #tpu.memory_space<semaphore_mem>>
    %dma_start3A_55 = tpu.memref_squeeze %dma_start3A_54 : memref<1x!tpu.dma_semaphore, #tpu.memory_space<semaphore_mem>> -> memref<!tpu.dma_semaphore, #tpu.memory_space<semaphore_mem>>
    %dma_start3A_56 = arith.constant 0 : i32
    %dma_start3A_57 = arith.constant 0 : i32
    %dma_start3A_58 = tpu.memref_slice %arg7[%dma_start3A_52, %dma_start3A_56, %dma_start3A_57] : memref<3x2048x1024xf32, #tpu.memory_space<vmem>> -> memref<1x2048x1024xf32, #tpu.memory_space<vmem>>
    %dma_start3A_59 = tpu.memref_squeeze %dma_start3A_58 : memref<1x2048x1024xf32, #tpu.memory_space<vmem>> -> memref<2048x1024xf32, #tpu.memory_space<vmem>>
    %dma_start3A_60 = arith.constant 0 : i32
    %dma_start3A_61 = arith.constant 0 : i32
    %dma_start3A_62 = tpu.memref_slice %arg2[%dma_start3A_51, %dma_start3A_60, %dma_start3A_61] : memref<16x2048x1024xf32, #tpu.memory_space<hbm>> -> memref<1x2048x1024xf32, #tpu.memory_space<hbm>>
    %dma_start3A_63 = tpu.memref_squeeze %dma_start3A_62 : memref<1x2048x1024xf32, #tpu.memory_space<hbm>> -> memref<2048x1024xf32, #tpu.memory_space<hbm>>
    tpu.enqueue_dma source(%dma_start3A_63 : memref<2048x1024xf32, #tpu.memory_space<hbm>>) target(%dma_start3A_59 : memref<2048x1024xf32, #tpu.memory_space<vmem>>) target_semaphore(%dma_start3A_55 : memref<!tpu.dma_semaphore, #tpu.memory_space<semaphore_mem>>)
    %dma_start3A_64 = arith.constant 2 : i32
    %dma_start3A_65 = arith.constant 2 : i32
    %dma_start3A_66 = arith.constant 2 : i32
    %dma_start3A_67 = tpu.memref_slice %arg11[%dma_start3A_66] : memref<3x!tpu.dma_semaphore, #tpu.memory_space<semaphore_mem>> -> memref<1x!tpu.dma_semaphore, #tpu.memory_space<semaphore_mem>>
    %dma_start3A_68 = tpu.memref_squeeze %dma_start3A_67 : memref<1x!tpu.dma_semaphore, #tpu.memory_space<semaphore_mem>> -> memref<!tpu.dma_semaphore, #tpu.memory_space<semaphore_mem>>
    %dma_start3A_69 = arith.constant 0 : i32
    %dma_start3A_70 = arith.constant 0 : i32
    %dma_start3A_71 = tpu.memref_slice %arg8[%dma_start3A_65, %dma_start3A_69, %dma_start3A_70] : memref<3x1024x2048xf32, #tpu.memory_space<vmem>> -> memref<1x1024x2048xf32, #tpu.memory_space<vmem>>
    %dma_start3A_72 = tpu.memref_squeeze %dma_start3A_71 : memref<1x1024x2048xf32, #tpu.memory_space<vmem>> -> memref<1024x2048xf32, #tpu.memory_space<vmem>>
    %dma_start3A_73 = arith.constant 0 : i32
    %dma_start3A_74 = arith.constant 0 : i32
    %dma_start3A_75 = tpu.memref_slice %arg4[%dma_start3A_64, %dma_start3A_73, %dma_start3A_74] : memref<16x1024x2048xf32, #tpu.memory_space<hbm>> -> memref<1x1024x2048xf32, #tpu.memory_space<hbm>>
    %dma_start3A_76 = tpu.memref_squeeze %dma_start3A_75 : memref<1x1024x2048xf32, #tpu.memory_space<hbm>> -> memref<1024x2048xf32, #tpu.memory_space<hbm>>
    tpu.enqueue_dma source(%dma_start3A_76 : memref<1024x2048xf32, #tpu.memory_space<hbm>>) target(%dma_start3A_72 : memref<1024x2048xf32, #tpu.memory_space<vmem>>) target_semaphore(%dma_start3A_68 : memref<!tpu.dma_semaphore, #tpu.memory_space<semaphore_mem>>)
    %get3A = arith.constant 0 : index
    %get3A_77 = arith.constant 0 : index
    %get3A_78 = vector.load %arg0[%get3A, %get3A_77] : memref<128x1024xf32, #tpu.memory_space<vmem>>, vector<128x1024xf32>
    %get3A_79 = arith.constant 0 : index
    %get3A_80 = arith.constant 0 : index
    %get3A_81 = vector.load %arg1[%get3A_79, %get3A_80] : memref<16x1024xf32, #tpu.memory_space<vmem>>, vector<16x1024xf32>
    %dot_general3A = arith.constant dense<0.000000e+00> : vector<128x16xf32>
    %dot_general3A_82 = tpu.matmul %get3A_78, %get3A_81, %dot_general3A {dimension_numbers = #tpu.dot_dimension_numbers<[1], [1], [0], [0], [0, 0, 1, 0], [], []>, transpose_lhs_hint = false} : vector<128x1024xf32>, vector<16x1024xf32>, vector<128x16xf32> -> vector<128x16xf32>
    %reduce_max3A = arith.constant dense<0xFF800000> : vector<128xf32>
    %reduce_max3A_83 = vector.multi_reduction <maximumf>, %dot_general3A_82, %reduce_max3A [1] : vector<128x16xf32> to vector<128xf32>
    %broadcast_in_dim3A = vector.shape_cast %reduce_max3A_83 : vector<128xf32> to vector<128x1xf32>
    %sub3A = vector.broadcast %broadcast_in_dim3A : vector<128x1xf32> to vector<128x16xf32>
    %sub3A_84 = arith.subf %dot_general3A_82, %sub3A : vector<128x16xf32>
    %exp3A = math.exp %sub3A_84 : vector<128x16xf32>
    %reduce_sum3A = arith.constant dense<0.000000e+00> : vector<128xf32>
    %reduce_sum3A_85 = vector.multi_reduction <add>, %exp3A, %reduce_sum3A [1] : vector<128x16xf32> to vector<128xf32>
    %broadcast_in_dim3A_86 = vector.shape_cast %reduce_sum3A_85 : vector<128xf32> to vector<128x1xf32>
    %div3A = vector.broadcast %broadcast_in_dim3A_86 : vector<128x1xf32> to vector<128x16xf32>
    %div3A_87 = arith.divf %exp3A, %div3A : vector<128x16xf32>
    %iota3A = tpu.iota {dimensions = array<i32: 1>} : vector<128x16xi32>
    %argmax3A = tpu.reduce_index %div3A_87 {axis = 1 : i32, kind = #tpu.reduction_kind<arg_max>} : vector<128x16xf32> -> vector<128xi32>
    %reduce_max3A_88 = arith.constant dense<0xFF800000> : vector<128xf32>
    %reduce_max3A_89 = vector.multi_reduction <maximumf>, %div3A_87, %reduce_max3A_88 [1] : vector<128x16xf32> to vector<128xf32>
    %broadcast_in_dim3A_90 = vector.shape_cast %argmax3A : vector<128xi32> to vector<128x1xi32>
    %eq3A = vector.broadcast %broadcast_in_dim3A_90 : vector<128x1xi32> to vector<128x16xi32>
    %eq3A_91 = arith.cmpi eq, %iota3A, %eq3A : vector<128x16xi32>
    %jit3A = arith.constant -1.000000e+00 : f32
    %broadcast_in_dim3A_92 = vector.broadcast %jit3A : f32 to vector<128x16xf32>
    %select_n3A = arith.select %eq3A_91, %broadcast_in_dim3A_92, %div3A_87 : vector<128x16xi1>, vector<128x16xf32>
    %argmax3A_93 = tpu.reduce_index %select_n3A {axis = 1 : i32, kind = #tpu.reduction_kind<arg_max>} : vector<128x16xf32> -> vector<128xi32>
    %reduce_max3A_94 = arith.constant dense<0xFF800000> : vector<128xf32>
    %reduce_max3A_95 = vector.multi_reduction <maximumf>, %select_n3A, %reduce_max3A_94 [1] : vector<128x16xf32> to vector<128xf32>
    %add3A = arith.addf %reduce_max3A_89, %reduce_max3A_95 : vector<128xf32>
    %add3A_96 = arith.constant 9.99999971E-10 : f32
    %add3A_97 = vector.broadcast %add3A_96 : f32 to vector<128xf32>
    %add3A_98 = arith.addf %add3A, %add3A_97 : vector<128xf32>
    %div3A_99 = arith.divf %reduce_max3A_89, %add3A_98 : vector<128xf32>
    %broadcast_in_dim3A_100 = vector.shape_cast %div3A_99 : vector<128xf32> to vector<128x1xf32>
    %div3A_101 = arith.divf %reduce_max3A_95, %add3A_98 : vector<128xf32>
    %broadcast_in_dim3A_102 = vector.shape_cast %div3A_101 : vector<128xf32> to vector<128x1xf32>
    %broadcast_in_dim3A_103 = vector.shape_cast %argmax3A : vector<128xi32> to vector<128x1xi32>
    %eq3A_104 = vector.broadcast %broadcast_in_dim3A_103 : vector<128x1xi32> to vector<128x16xi32>
    %eq3A_105 = arith.cmpi eq, %iota3A, %eq3A_104 : vector<128x16xi32>
    %jit3A_106 = arith.constant 0.000000e+00 : f32
    %broadcast_in_dim3A_107 = vector.shape_cast %broadcast_in_dim3A_100 : vector<128x1xf32> to vector<128x1xf32>
    %broadcast_in_dim3A_108 = vector.broadcast %broadcast_in_dim3A_107 : vector<128x1xf32> to vector<128x16xf32>
    %broadcast_in_dim3A_109 = vector.broadcast %jit3A_106 : f32 to vector<128x16xf32>
    %select_n3A_110 = arith.select %eq3A_105, %broadcast_in_dim3A_108, %broadcast_in_dim3A_109 : vector<128x16xi1>, vector<128x16xf32>
    %broadcast_in_dim3A_111 = vector.shape_cast %argmax3A_93 : vector<128xi32> to vector<128x1xi32>
    %eq3A_112 = vector.broadcast %broadcast_in_dim3A_111 : vector<128x1xi32> to vector<128x16xi32>
    %eq3A_113 = arith.cmpi eq, %iota3A, %eq3A_112 : vector<128x16xi32>
    %jit3A_114 = arith.constant 0.000000e+00 : f32
    %broadcast_in_dim3A_115 = vector.shape_cast %broadcast_in_dim3A_102 : vector<128x1xf32> to vector<128x1xf32>
    %broadcast_in_dim3A_116 = vector.broadcast %broadcast_in_dim3A_115 : vector<128x1xf32> to vector<128x16xf32>
    %broadcast_in_dim3A_117 = vector.broadcast %jit3A_114 : f32 to vector<128x16xf32>
    %select_n3A_118 = arith.select %eq3A_113, %broadcast_in_dim3A_116, %broadcast_in_dim3A_117 : vector<128x16xi1>, vector<128x16xf32>
    %add3A_119 = arith.addf %select_n3A_110, %select_n3A_118 : vector<128x16xf32>
    %swap3A = arith.constant 0 : index
    %swap3A_120 = arith.constant 0 : index
    %swap3A_121 = vector.load %arg9[%swap3A, %swap3A_120] : memref<128x16xf32, #tpu.memory_space<vmem>>, vector<128x16xf32>
    tpu.vector_store %arg9[%swap3A, %swap3A_120], %add3A_119 {strides = array<i32>} : memref<128x16xf32, #tpu.memory_space<vmem>>, vector<128x16xf32>,
    %broadcast_in_dim3A_122 = arith.constant 0.000000e+00 : f32
    %broadcast_in_dim3A_123 = vector.broadcast %broadcast_in_dim3A_122 : f32 to vector<128x1024xf32>
    %swap3A_124 = arith.constant 0 : index
    %swap3A_125 = arith.constant 0 : index
    %swap3A_126 = vector.load %arg6[%swap3A_124, %swap3A_125] : memref<128x1024xf32, #tpu.memory_space<vmem>>, vector<128x1024xf32>
    tpu.vector_store %arg6[%swap3A_124, %swap3A_125], %broadcast_in_dim3A_123 {strides = array<i32>} : memref<128x1024xf32, #tpu.memory_space<vmem>>, vector<128x1024xf32>,
    %scan3A = arith.constant 0 : i32
    %scan3A_127 = arith.constant 16 : i32
    %scan3A_128 = arith.addi %scan3A, %scan3A_127 : i32
    %scan3A_129 = arith.constant 1 : i32
    scf.for %scan3A_131 = %scan3A to %scan3A_128 step %scan3A_129  : i32 {
      %rem3A = arith.constant 3 : i32
      %rem3A_132 = arith.remsi %scan3A_131, %rem3A : i32
      %dma_wait3A = tpu.memref_slice %arg10[%rem3A_132] : memref<3x!tpu.dma_semaphore, #tpu.memory_space<semaphore_mem>> -> memref<1x!tpu.dma_semaphore, #tpu.memory_space<semaphore_mem>>
      %dma_wait3A_133 = tpu.memref_squeeze %dma_wait3A : memref<1x!tpu.dma_semaphore, #tpu.memory_space<semaphore_mem>> -> memref<!tpu.dma_semaphore, #tpu.memory_space<semaphore_mem>>
      %dma_wait3A_134 = arith.constant 0 : i32
      %dma_wait3A_135 = arith.constant 0 : i32
      %dma_wait3A_136 = tpu.memref_slice %arg7[%rem3A_132, %dma_wait3A_134, %dma_wait3A_135] : memref<3x2048x1024xf32, #tpu.memory_space<vmem>> -> memref<1x2048x1024xf32, #tpu.memory_space<vmem>>
      %dma_wait3A_137 = tpu.memref_squeeze %dma_wait3A_136 : memref<1x2048x1024xf32, #tpu.memory_space<vmem>> -> memref<2048x1024xf32, #tpu.memory_space<vmem>>
      %dma_wait3A_138 = arith.constant 0 : i32
      %dma_wait3A_139 = arith.constant 0 : i32
      %dma_wait3A_140 = tpu.memref_slice %arg2[%scan3A_131, %dma_wait3A_138, %dma_wait3A_139] : memref<16x2048x1024xf32, #tpu.memory_space<hbm>> -> memref<1x2048x1024xf32, #tpu.memory_space<hbm>>
      %dma_wait3A_141 = tpu.memref_squeeze %dma_wait3A_140 : memref<1x2048x1024xf32, #tpu.memory_space<hbm>> -> memref<2048x1024xf32, #tpu.memory_space<hbm>>
      tpu.wait_dma2 semaphore(%dma_wait3A_133 : memref<!tpu.dma_semaphore, #tpu.memory_space<semaphore_mem>>) src(%dma_wait3A_141 : memref<2048x1024xf32, #tpu.memory_space<hbm>>) dst(%dma_wait3A_137 : memref<2048x1024xf32, #tpu.memory_space<vmem>>)
      %dma_wait3A_142 = tpu.memref_slice %arg11[%rem3A_132] : memref<3x!tpu.dma_semaphore, #tpu.memory_space<semaphore_mem>> -> memref<1x!tpu.dma_semaphore, #tpu.memory_space<semaphore_mem>>
      %dma_wait3A_143 = tpu.memref_squeeze %dma_wait3A_142 : memref<1x!tpu.dma_semaphore, #tpu.memory_space<semaphore_mem>> -> memref<!tpu.dma_semaphore, #tpu.memory_space<semaphore_mem>>
      %dma_wait3A_144 = arith.constant 0 : i32
      %dma_wait3A_145 = arith.constant 0 : i32
      %dma_wait3A_146 = tpu.memref_slice %arg8[%rem3A_132, %dma_wait3A_144, %dma_wait3A_145] : memref<3x1024x2048xf32, #tpu.memory_space<vmem>> -> memref<1x1024x2048xf32, #tpu.memory_space<vmem>>
      %dma_wait3A_147 = tpu.memref_squeeze %dma_wait3A_146 : memref<1x1024x2048xf32, #tpu.memory_space<vmem>> -> memref<1024x2048xf32, #tpu.memory_space<vmem>>
      %dma_wait3A_148 = arith.constant 0 : i32
      %dma_wait3A_149 = arith.constant 0 : i32
      %dma_wait3A_150 = tpu.memref_slice %arg4[%scan3A_131, %dma_wait3A_148, %dma_wait3A_149] : memref<16x1024x2048xf32, #tpu.memory_space<hbm>> -> memref<1x1024x2048xf32, #tpu.memory_space<hbm>>
      %dma_wait3A_151 = tpu.memref_squeeze %dma_wait3A_150 : memref<1x1024x2048xf32, #tpu.memory_space<hbm>> -> memref<1024x2048xf32, #tpu.memory_space<hbm>>
      tpu.wait_dma2 semaphore(%dma_wait3A_143 : memref<!tpu.dma_semaphore, #tpu.memory_space<semaphore_mem>>) src(%dma_wait3A_151 : memref<1024x2048xf32, #tpu.memory_space<hbm>>) dst(%dma_wait3A_147 : memref<1024x2048xf32, #tpu.memory_space<vmem>>)
      %iota3A_152 = tpu.iota {dimensions = array<i32: 1>} : vector<128x16xi32>
      %eq3A_153 = vector.broadcast %scan3A_131 : i32 to vector<128x16xi32>
      %eq3A_154 = arith.cmpi eq, %iota3A_152, %eq3A_153 : vector<128x16xi32>
      %get3A_155 = arith.constant 0 : index
      %get3A_156 = arith.constant 0 : index
      %get3A_157 = vector.load %arg9[%get3A_155, %get3A_156] : memref<128x16xf32, #tpu.memory_space<vmem>>, vector<128x16xf32>
      %jit3A_158 = arith.constant 0.000000e+00 : f32
      %broadcast_in_dim3A_159 = vector.broadcast %jit3A_158 : f32 to vector<128x16xf32>
      %select_n3A_160 = arith.select %eq3A_154, %get3A_157, %broadcast_in_dim3A_159 : vector<128x16xi1>, vector<128x16xf32>
      %reduce_sum3A_161 = arith.constant dense<0.000000e+00> : vector<128xf32>
      %reduce_sum3A_162 = vector.multi_reduction <add>, %select_n3A_160, %reduce_sum3A_161 [1] : vector<128x16xf32> to vector<128xf32>
      %broadcast_in_dim3A_163 = vector.shape_cast %reduce_sum3A_162 : vector<128xf32> to vector<128x1xf32>
      %get3A_164 = arith.constant 0 : index
      %get3A_165 = arith.constant 0 : index
      %get3A_166 = vector.load %arg0[%get3A_164, %get3A_165] : memref<128x1024xf32, #tpu.memory_space<vmem>>, vector<128x1024xf32>
      %get3A_167 = arith.index_cast %rem3A_132 : i32 to index
      %get3A_168 = arith.constant 0 : index
      %get3A_169 = arith.constant 0 : index
      %get3A_170 = vector.load %arg7[%get3A_167, %get3A_168, %get3A_169] : memref<3x2048x1024xf32, #tpu.memory_space<vmem>>, vector<1x2048x1024xf32>
      %get3A_171 = vector.shape_cast %get3A_170 : vector<1x2048x1024xf32> to vector<2048x1024xf32>
      %dot_general3A_172 = arith.constant dense<0.000000e+00> : vector<128x2048xf32>
      %dot_general3A_173 = tpu.matmul %get3A_166, %get3A_171, %dot_general3A_172 {dimension_numbers = #tpu.dot_dimension_numbers<[1], [1], [0], [0], [0, 0, 1, 0], [], []>, transpose_lhs_hint = false} : vector<128x1024xf32>, vector<2048x1024xf32>, vector<128x2048xf32> -> vector<128x2048xf32>
      %get3A_174 = arith.index_cast %scan3A_131 : i32 to index
      %get3A_175 = arith.constant 0 : index
      %get3A_176 = arith.constant 0 : index
      %get3A_177 = vector.load %arg3[%get3A_174, %get3A_175, %get3A_176] : memref<16x1x2048xf32, #tpu.memory_space<vmem>>, vector<1x1x2048xf32>
      %get3A_178 = vector.shape_cast %get3A_177 : vector<1x1x2048xf32> to vector<1x2048xf32>
      %add3A_179 = vector.broadcast %get3A_178 : vector<1x2048xf32> to vector<128x2048xf32>
      %add3A_180 = arith.addf %dot_general3A_173, %add3A_179 : vector<128x2048xf32>
      %mul3A = arith.constant 5.000000e-01 : f32
      %mul3A_181 = vector.broadcast %mul3A : f32 to vector<128x2048xf32>
      %mul3A_182 = arith.mulf %mul3A_181, %add3A_180 : vector<128x2048xf32>
      %mul3A_183 = arith.constant 0.707106769 : f32
      %mul3A_184 = vector.broadcast %mul3A_183 : f32 to vector<128x2048xf32>
      %mul3A_185 = arith.mulf %add3A_180, %mul3A_184 : vector<128x2048xf32>
      %erf3A = math.erf %mul3A_185 : vector<128x2048xf32>
      %add3A_186 = arith.constant 1.000000e+00 : f32
      %add3A_187 = vector.broadcast %add3A_186 : f32 to vector<128x2048xf32>
      %add3A_188 = arith.addf %add3A_187, %erf3A : vector<128x2048xf32>
      %mul3A_189 = arith.mulf %mul3A_182, %add3A_188 : vector<128x2048xf32>
      %get3A_190 = arith.index_cast %rem3A_132 : i32 to index
      %get3A_191 = arith.constant 0 : index
      %get3A_192 = arith.constant 0 : index
      %get3A_193 = vector.load %arg8[%get3A_190, %get3A_191, %get3A_192] : memref<3x1024x2048xf32, #tpu.memory_space<vmem>>, vector<1x1024x2048xf32>
      %get3A_194 = vector.shape_cast %get3A_193 : vector<1x1024x2048xf32> to vector<1024x2048xf32>
      %dot_general3A_195 = arith.constant dense<0.000000e+00> : vector<128x1024xf32>
      %dot_general3A_196 = tpu.matmul %mul3A_189, %get3A_194, %dot_general3A_195 {dimension_numbers = #tpu.dot_dimension_numbers<[1], [1], [0], [0], [0, 0, 1, 0], [], []>, transpose_lhs_hint = false} : vector<128x2048xf32>, vector<1024x2048xf32>, vector<128x1024xf32> -> vector<128x1024xf32>
      %get3A_197 = arith.constant 0 : index
      %get3A_198 = arith.constant 0 : index
      %get3A_199 = vector.load %arg6[%get3A_197, %get3A_198] : memref<128x1024xf32, #tpu.memory_space<vmem>>, vector<128x1024xf32>
      %get3A_200 = arith.index_cast %scan3A_131 : i32 to index
      %get3A_201 = arith.constant 0 : index
      %get3A_202 = arith.constant 0 : index
      %get3A_203 = vector.load %arg5[%get3A_200, %get3A_201, %get3A_202] : memref<16x1x1024xf32, #tpu.memory_space<vmem>>, vector<1x1x1024xf32>
      %get3A_204 = vector.shape_cast %get3A_203 : vector<1x1x1024xf32> to vector<1x1024xf32>
      %add3A_205 = vector.broadcast %get3A_204 : vector<1x1024xf32> to vector<128x1024xf32>
      %add3A_206 = arith.addf %dot_general3A_196, %add3A_205 : vector<128x1024xf32>
      %mul3A_207 = vector.broadcast %broadcast_in_dim3A_163 : vector<128x1xf32> to vector<128x1024xf32>
      %mul3A_208 = arith.mulf %mul3A_207, %add3A_206 : vector<128x1024xf32>
      %add3A_209 = arith.addf %get3A_199, %mul3A_208 : vector<128x1024xf32>
      %swap3A_210 = arith.constant 0 : index
      %swap3A_211 = arith.constant 0 : index
      %swap3A_212 = vector.load %arg6[%swap3A_210, %swap3A_211] : memref<128x1024xf32, #tpu.memory_space<vmem>>, vector<128x1024xf32>
      tpu.vector_store %arg6[%swap3A_210, %swap3A_211], %add3A_209 {strides = array<i32>} : memref<128x1024xf32, #tpu.memory_space<vmem>>, vector<128x1024xf32>,
      %add3A_213 = arith.constant 3 : i32
      %add3A_214 = arith.addi %scan3A_131, %add3A_213 : i32
      %lt3A = arith.constant 16 : i32
      %lt3A_215 = arith.cmpi slt, %add3A_214, %lt3A : i32
      %convert_element_type3A = arith.extui %lt3A_215 : i1 to i32
      %cond3A = arith.constant 0 : i32
      %cond3A_216 = arith.cmpi ne, %convert_element_type3A, %cond3A : i32
      scf.if %cond3A_216 {
        %add3A_217 = arith.constant 3 : i32
        %add3A_218 = arith.addi %scan3A_131, %add3A_217 : i32
        %dma_start3A_219 = tpu.memref_slice %arg10[%rem3A_132] : memref<3x!tpu.dma_semaphore, #tpu.memory_space<semaphore_mem>> -> memref<1x!tpu.dma_semaphore, #tpu.memory_space<semaphore_mem>>
        %dma_start3A_220 = tpu.memref_squeeze %dma_start3A_219 : memref<1x!tpu.dma_semaphore, #tpu.memory_space<semaphore_mem>> -> memref<!tpu.dma_semaphore, #tpu.memory_space<semaphore_mem>>
        %dma_start3A_221 = arith.constant 0 : i32
        %dma_start3A_222 = arith.constant 0 : i32
        %dma_start3A_223 = tpu.memref_slice %arg7[%rem3A_132, %dma_start3A_221, %dma_start3A_222] : memref<3x2048x1024xf32, #tpu.memory_space<vmem>> -> memref<1x2048x1024xf32, #tpu.memory_space<vmem>>
        %dma_start3A_224 = tpu.memref_squeeze %dma_start3A_223 : memref<1x2048x1024xf32, #tpu.memory_space<vmem>> -> memref<2048x1024xf32, #tpu.memory_space<vmem>>
        %dma_start3A_225 = arith.constant 0 : i32
        %dma_start3A_226 = arith.constant 0 : i32
        %dma_start3A_227 = tpu.memref_slice %arg2[%add3A_218, %dma_start3A_225, %dma_start3A_226] : memref<16x2048x1024xf32, #tpu.memory_space<hbm>> -> memref<1x2048x1024xf32, #tpu.memory_space<hbm>>
        %dma_start3A_228 = tpu.memref_squeeze %dma_start3A_227 : memref<1x2048x1024xf32, #tpu.memory_space<hbm>> -> memref<2048x1024xf32, #tpu.memory_space<hbm>>
        tpu.enqueue_dma source(%dma_start3A_228 : memref<2048x1024xf32, #tpu.memory_space<hbm>>) target(%dma_start3A_224 : memref<2048x1024xf32, #tpu.memory_space<vmem>>) target_semaphore(%dma_start3A_220 : memref<!tpu.dma_semaphore, #tpu.memory_space<semaphore_mem>>)
        %dma_start3A_229 = tpu.memref_slice %arg11[%rem3A_132] : memref<3x!tpu.dma_semaphore, #tpu.memory_space<semaphore_mem>> -> memref<1x!tpu.dma_semaphore, #tpu.memory_space<semaphore_mem>>
        %dma_start3A_230 = tpu.memref_squeeze %dma_start3A_229 : memref<1x!tpu.dma_semaphore, #tpu.memory_space<semaphore_mem>> -> memref<!tpu.dma_semaphore, #tpu.memory_space<semaphore_mem>>
        %dma_start3A_231 = arith.constant 0 : i32
        %dma_start3A_232 = arith.constant 0 : i32
        %dma_start3A_233 = tpu.memref_slice %arg8[%rem3A_132, %dma_start3A_231, %dma_start3A_232] : memref<3x1024x2048xf32, #tpu.memory_space<vmem>> -> memref<1x1024x2048xf32, #tpu.memory_space<vmem>>
        %dma_start3A_234 = tpu.memref_squeeze %dma_start3A_233 : memref<1x1024x2048xf32, #tpu.memory_space<vmem>> -> memref<1024x2048xf32, #tpu.memory_space<vmem>>
        %dma_start3A_235 = arith.constant 0 : i32
        %dma_start3A_236 = arith.constant 0 : i32
        %dma_start3A_237 = tpu.memref_slice %arg4[%add3A_218, %dma_start3A_235, %dma_start3A_236] : memref<16x1024x2048xf32, #tpu.memory_space<hbm>> -> memref<1x1024x2048xf32, #tpu.memory_space<hbm>>
        %dma_start3A_238 = tpu.memref_squeeze %dma_start3A_237 : memref<1x1024x2048xf32, #tpu.memory_space<hbm>> -> memref<1024x2048xf32, #tpu.memory_space<hbm>>
        tpu.enqueue_dma source(%dma_start3A_238 : memref<1024x2048xf32, #tpu.memory_space<hbm>>) target(%dma_start3A_234 : memref<1024x2048xf32, #tpu.memory_space<vmem>>) target_semaphore(%dma_start3A_230 : memref<!tpu.dma_semaphore, #tpu.memory_space<semaphore_mem>>)
      } else {
      }
    }
    %scan3A_130 = arith.constant 16 : i32
    return
  }
}

</mosaic_0001>

<sc_bundles>
// kernel: kernel.5.cloned.1.call-start
scs
__scs_entry_jumppad:
0x0: {  	(pc) =	sbr.rel $0x88, $3  }
0x1: {  	(tag) =	ssettag $0x0;
	lr =	simm.s32 $0x1  }
0x2: {  	[smem:$0x3F9B] =	sst lr;
	_ =	strace $0xD0000000  }
0x3: {  	_ = 	snop  }
0x4: {  	_ = 	snop  }
0x5: {  	_ = 	snop  }
0x6: {  	_ = 	snop  }
0x7: {  	_ = 	snop  }
__scs_overlays_trampoline_lowered:
0x8: {  	[smem:$0x3FAA] =	sst s0  }
0x9: {  	[smem:$0x3FAB] =	sst s1  }
0xa: {  	[smem:$0x3FAC] =	sst s2  }
0xb: {  	[smem:$0x3FAD] =	sst s3  }
0xc: {  	[smem:$0x3FAE] =	sst s4  }
0xd: {  	[smem:$0x3FAF] =	sst s5  }
0xe: {  	[smem:$0x3FB0] =	sst s6  }
0xf: {  	[smem:$0x3FB1] =	sst s7  }
0x10: {  	[smem:$0x3FB2] =	sst s8  }
0x11: {  	[smem:$0x3FB3] =	sst s9;
	s0 =	simm.s32 @!p0 $0x0  }
0x12: {  	s1 =	sld [smem:$0x3F99];
	s0 =	simm.s32 @p0 $0x1  }
0x13: {  	[smem:$0x3FB4] =	sst s0;
	s0 =	simm.s32 @!p1 $0x0  }
0x14: {  	s2 =	sld [smem:$0x3F98];
	s0 =	simm.s32 @p1 $0x1  }
0x15: {  	[smem:$0x3FB5] =	sst s0;
	s0 =	simm.s32 @!p2 $0x0  }
0x16: {  	s3 =	sld [smem:$0x3FDB];
	s0 =	simm.s32 @p2 $0x1  }
0x17: {  	s4 =	simm.s32 $0x1BF5;
	[smem:$0x3FB7] =	sst s0  }
0x18: {  	s0 =	sld [smem:$0x3F9A];
	_ =	swait.ge [sflag:s4], $0x0  }
0x19: {  	s7 =	sld [smem:$0x3F9B]  }
0x1a: {  	s8 =	sadd.s32 $0xFFFFE003, lr  }
0x1b: {  	s9 =	sadd.s32 $0xFFFFFEF7, lr;
	s5 =	simm.s32 $0xFFFFFFFF;
	p2 =	slt.u32 s8, $0xFFFFF086  }
0x1c: {  	p1 =	slt.u32 s9, $0xF7A;
	s5 =	simm.s32 @!p2 $0x0  }
0x1d: {  	s5 =	simm.s32 @p1 $0x1;
	p0 =	seq.s32 s7, s2  }
0x1e: {  	s7 =	smul.u32 @!p0 $0xF7A, s2;
	p2 =	seq.s32 @!p0 s5, $0x0  }
0x1f: {  	s9 =	smul.u32 $0xF7A, s1;
	s8 =	simm.s32 @!p0 $0x1BF5;
	p2 =	por !p2, p0  }
0x20: {  	[sflag:s8] =	ssyncset.s32 @!p0 $0xFFFFF086;
	s6 =	sadd.s32 @!p0 s3, s7;
	s7 =	simm.s32 @!p0 $0x108  }
0x21: {  	s3 =	sadd.s32 s3, s9;
	s6 =	sadd.s32 @!p0 $0x88, s6;
	s7 =	simm.s32 @p2 $0x1082  }
0x22: {  	[simem:s7], [sflag:s8] =	dma.local @!p0 [hbm:s6], $0xF7A  }
0x23: {  	s9 =	sor.u32 $0xD0000000, s2;
	s6 =	simm.s32 $0x108;
	_ =	swait.ge @!p0 [sflag:s8], $0x0  }
0x24: {  	s3 =	sadd.s32 $0x88, s3;
	s6 =	simm.s32 @!p1 $0x1082;
	[sflag:s4] =	ssyncset.s32 $0xFFFFF086  }
0x25: {  	[simem:s6], [sflag:s4] =	dma.local [hbm:s3], $0xF7A  }
0x26: {  	[smem:$0x3F9B] =	sst s1;
	(tag) =	ssettag s2;
	_ =	strace s9  }
0x27: {  	s1 =	sld [smem:$0x3FAB]  }
0x28: {  	s2 =	sld [smem:$0x3FAC]  }
0x29: {  	s4 =	sld [smem:$0x3FAE]  }
0x2a: {  	p0 =	seq.s32 s5, $0x0;
	s5 =	sld [smem:$0x3FAF]  }
0x2b: {  	s6 =	sld [smem:$0x3FB0]  }
0x2c: {  	s7 =	sld [smem:$0x3FB1]  }
0x2d: {  	s3 =	simm.s32 $0x108;
	s8 =	sld [smem:$0x3FB2]  }
0x2e: {  	s3 =	simm.s32 @!p0 $0x1082;
	s9 =	sld [smem:$0x3FB3]  }
0x2f: {  	lr =	sadd.s32 s0, s3;
	s0 =	sld [smem:$0x3FAA]  }
0x30: {  	s3 =	sld [smem:$0x3FAD]  }
0x31: {  	[smem:$0x3FB6] =	sst s10  }
0x32: {  	s10 =	sld [smem:$0x3FB4];
	_ =	sdelay $0x3  }
0x33: {  	p0 =	seq.s32 s10, $0x1;
	s10 =	sld [smem:$0x3FB6];
	_ =	sdelay $0x3  }
0x34: {  	[smem:$0x3FB6] =	sst s10  }
0x35: {  	s10 =	sld [smem:$0x3FB5];
	_ =	sdelay $0x3  }
0x36: {  	p1 =	seq.s32 s10, $0x1;
	s10 =	sld [smem:$0x3FB6];
	_ =	sdelay $0x3  }
0x37: {  	[smem:$0x3FB6] =	sst s10  }
0x38: {  	s10 =	sld [smem:$0x3FB7]  }
0x39: {  	_ = 	snop;
	(pc) =	sbr.ind lr, $3  }
0x3a: {  	_ = 	snop  }
0x3b: {  	_ = 	snop  }
0x3c: {  	p2 =	seq.s32 s10, $0x1;
	s10 =	sld [smem:$0x3FB6]  }
0x3d: {  	_ =	shalt  }
0x3e: {  	_ =	shalt  }
0x3f: {  	_ =	shalt  }
0x40: {  	_ =	shalt  }
0x41: {  	_ =	shalt  }
0x42: {  	_ =	shalt  }
0x43: {  	_ =	shalt  }
0x44: {  	_ =	shalt  }
0x45: {  	_ =	shalt  }
0x46: {  	_ =	shalt  }
0x47: {  	_ =	shalt  }
0x48: {  	_ =	shalt  }
0x49: {  	_ =	shalt  }
0x4a: {  	_ =	shalt  }
0x4b: {  	_ =	shalt  }
0x4c: {  	_ =	shalt  }
0x4d: {  	_ =	shalt  }
0x4e: {  	_ =	shalt  }
0x4f: {  	_ =	shalt  }
0x50: {  	_ =	shalt  }
0x51: {  	_ =	shalt  }
0x52: {  	_ =	shalt  }
0x53: {  	_ =	shalt  }
0x54: {  	_ =	shalt  }
0x55: {  	_ =	shalt  }
0x56: {  	_ =	shalt  }
0x57: {  	_ =	shalt  }
0x58: {  	_ =	shalt  }
0x59: {  	_ =	shalt  }
0x5a: {  	_ =	shalt  }
0x5b: {  	_ =	shalt  }
0x5c: {  	_ =	shalt  }
0x5d: {  	_ =	shalt  }
0x5e: {  	_ =	shalt  }
0x5f: {  	_ =	shalt  }
0x60: {  	_ =	shalt  }
0x61: {  	_ =	shalt  }
0x62: {  	_ =	shalt  }
0x63: {  	_ =	shalt  }
0x64: {  	_ =	shalt  }
0x65: {  	_ =	shalt  }
0x66: {  	_ =	shalt  }
0x67: {  	_ =	shalt  }
0x68: {  	_ =	shalt  }
0x69: {  	_ =	shalt  }
0x6a: {  	_ =	shalt  }
0x6b: {  	_ =	shalt  }
0x6c: {  	_ =	shalt  }
0x6d: {  	_ =	shalt  }
0x6e: {  	_ =	shalt  }
0x6f: {  	_ =	shalt  }
0x70: {  	_ =	shalt  }
0x71: {  	_ =	shalt  }
0x72: {  	_ =	shalt  }
0x73: {  	_ =	shalt  }
0x74: {  	_ =	shalt  }
0x75: {  	_ =	shalt  }
0x76: {  	_ =	shalt  }
0x77: {  	_ =	shalt  }
0x78: {  	_ =	shalt  }
0x79: {  	_ =	shalt  }
0x7a: {  	_ =	shalt  }
0x7b: {  	_ =	shalt  }
0x7c: {  	_ =	shalt  }
0x7d: {  	_ =	shalt  }
0x7e: {  	_ =	shalt  }
0x7f: {  	_ =	shalt  }
0x80: {  	_ =	shalt  }
0x81: {  	_ =	shalt  }
0x82: {  	_ =	shalt  }
0x83: {  	_ =	shalt  }
0x84: {  	_ =	shalt  }
0x85: {  	_ =	shalt  }
0x86: {  	_ =	shalt  }
0x87: {  	_ =	shalt  }
.Lfunc_end0:
.L_simem_size_0:
called_computation_lowered:
.L_overlay_start_0:
0x88: {  	s2 =	sld [smem:$0x3FD9]  }
0x89: {  	s3 =	sld [smem:$0x3FFE];
	_ =	sdelay $0x1  }
0x8a: {  	s1 =	srdreg.scid  }
0x8b: {  	s0 =	sand.u32 $0x1, s1  }
0x8c: {  	s16 =	sshll.u32 s0, $0xA;
	s2 =	sadd.s32 s3, s2  }
0x8d: {  	s2 =	sadd.s32 s2, s16  }
0x8e: {  	[smem:$0x3FC2] =	sst s2  }
0x8f: {  	_ = 	snop  }
0x90: {  	(tm) =	ssettm $0x1  }
0x91: {  	s17 =	sld [smem:$0x3FFB];
	_ =	sdelay $0x3  }
0x92: {  	_ =	strace s17  }
0x93: {  	s2 =	sld [smem:$0x3FFC];
	_ =	sdelay $0x3  }
0x94: {  	_ =	strace s2  }
0x95: {  	s2 =	sld [smem:$0x3FFD];
	_ =	sdelay $0x3  }
0x96: {  	_ =	strace s2  }
0x97: {  	_ =	strace $0x8FFFFFFF  }
0x98: {  	s18 =	sld [smem:$0x3FDB];
	_ =	sdelay $0x1  }
0x99: {  	s19 =	simm.s32 $_scs_section_size  }
0x9a: {  	s4 =	simm.s32 $_size__tile_overlayer_lowered;
	s5 =	simm.s32 $_tile_overlayer_lowered  }
0x9b: {  	s22 =	simm.s32 $0x1BFF;
	s21 =	sshll.u32 s5, $0x1;
	s2 =	sadd.s32 s19, s18  }
0x9c: {  	s6 =	simm.s32 $0x0;
	s20 =	sshll.u32 s4, $0x1;
	s4 =	sadd.s32 s21, s2  }
0x9d: {  	[timem:s6], [sflag:s22] =	dma.local [hbm:s4], s20  }
0x9e: {  	_ =	swait.ge [sflag:s22], s20  }
0x9f: {  	s3 =	ssub.s32 $0x0, s20;
	[sflag:s22] =	ssyncset.done $0x0  }
0xa0: {  	[sflag:s22] =	ssyncadd.s32 s3;
	_ =	sdelay $0x1  }
0xa1: {  	s23 =	simm.s32 $0x1B8B  }
0xa2: {  	_ =	swait.ge [sflag:s23], $0x1  }
0xa3: {  	[sflag:s23] =	ssyncset.done $0x0  }
0xa4: {  	s25 =	simm.s32 $0x1B8E;
	s24 =	sld [smem:$0x3FFE];
	[sflag:s23] =	ssyncadd.s32 $0xFFFFFFFF  }
0xa5: {  	s26 =	simm.s32 $execute0_lowered;
	[smem:$0x3FD2] =	sst s25  }
0xa6: {  	s4 =	sshll.u32 s26, $0x1;
	_ =	strace $0x80000046;
	[dreg:$0x1] =	wrdreg $0xFFFFFFFF  }
0xa7: {  	s28 =	simm.s32 $_size_execute0_lowered;
	s2 =	sadd.s32 s2, s4;
	[dreg:$0x0] =	wrdreg $0x0  }
0xa8: {  	s4 =	sshll.u32 s28, $0x1;
	[dreg:$0x2] =	wrdreg s2  }
0xa9: {  	[dreg:$0x3] =	wrdreg s4  }
0xaa: {  	[dreg:$0x4] =	wrdreg $0xC0  }
0xab: {  	_ =	task [dreg:s6], $0x5FFFF  }
0xac: {  	[dreg:$0x1] =	wrdreg $0xFFFFFFFF  }
0xad: {  	[dreg:$0x0] =	wrdreg $0x60  }
0xae: {  	[dreg:$0x2] =	wrdreg s24  }
0xaf: {  	[dreg:$0x3] =	wrdreg $0x9  }
0xb0: {  	_ =	task.clear_ibuf [dreg:s6], $0x4FFFF;
	_ =	strace $0x90000046  }
0xb1: {  	s29 =	simm.s32 $0x9;
	_ =	strace $0x8000004E  }
0xb2: {  	_ =	swait.ge [sflag:s29], $0x1  }
0xb3: {  	[sflag:s29] =	ssyncadd.s32 $0xFFFFFFFF  }
0xb4: {  	_ =	strace $0x9000004E  }
0xb5: {  	_ =	sfence  }
0xb6: {  	s30 =	sld [smem:$0x0];
	_ =	sdelay $0x2  }
0xb7: {  	s31 =	sshll.u32 s1, $0xD;
	s1 =	sshrl.u32 s1, $0x2  }
0xb8: {  	s3 =	sand.u32 $0x4000, s31;
	s1 =	sadd.s32 s1, s30  }
0xb9: {  	s0 =	sor.u32 s3, s0;
	s1 =	sshll.u32 s1, $0x11  }
0xba: {  	s0 =	sor.u32 s1, s0  }
0xbb: {  	s0 =	sadd.s32 $0x8F2B, s0  }
0xbc: {  	[sflag:s0] =	ssyncadd.remote.s32 $0x1  }
0xbd: {  	_ =	sfence.sel $0xFFFF  }
0xbe: {  	[dreg:$0x0] =	wrdreg $0xFFFFFFFF;
	(pc) =	sbr.abs _section_cstart, $3  }
0xbf: {  	[dreg:$0x1] =	wrdreg $0xFFFFFFFF  }
0xc0: {  	_ =	task.clear_ibuf [dreg:s6], $0x2FFFF;
	_ =	strace $0x9FFFFFFF  }
0xc1: {  	(tm) =	ssettm $0x7FFFFFFF  }
tec
execute0_lowered:
.L_overlay_start_1:
0x0: {  	(tag) =	ssettag $0x1  }
0x1: {  	s0 =	srdreg.scid  }
0x2: {  	s3 =	rddreg [dreg:$0x0];
	s1 =	stileid.u32;
	s2 =	simm.s32 $0x0  }
0x3: {  	s7 =	simm.s32 $0x1;
	s8 =	simm.s32 $0x400;
	s9 =	simm.s32 $0x800  }
0x4: {  	s10 =	simm.s32 $0x3;
	s11 =	simm.s32 $0x5;
	s4 =	sand.u32 $0x1, s0  }
0x5: {  	s12 =	simm.s32 $0x0;
	s6 =	sshll.u32 s1, $0x6;
	s5 =	sshll.u32 s4, $0xA  }
0x6: {  	s0 =	rddreg [dreg:$0x1];
	s4 =	ssub.s32 $0x2, s4;
	s5 =	sor.u32 s6, s5  }
0x7: {  	[smem:$0x7FF] =	sst s2;
	s30 =	sshrl.u32 s4, $0x1;
	s5 =	sadd.s32 s5, s3  }
0x8: {  	v0 =	vlaneseq.u32;
	_ =	strace $0x80000047;
	s31 =	ssub.s32 s4, s30;
	s3 =	sadd.s32 $0xE00, s5  }
0x9: {  	vm0 =	vcmask $0x300;
	vm1 =	vcmask $0x704;
	v1 =	vor.u32 $0x80000000, v0;
	s4 =	sadd.s32 $0x1600, s5;
	s5 =	sadd.s32 $0x1E00, s5;
	s6 =	smax.u32 s31, $0x1  }
.LBB2_1:
0xa: {  	_ =	strace $0x80000048  }
0xb: {  	[tilespmem:s2], [sflag:$0x1] =	stream.linear.gather [hbm4b:s3+s2], $0x200, $0x200038;
	[tilespmem:$0xC00] =	vst v63  }
0xc: {  	_ =	strace $0x90000048  }
0xd: {  	_ =	strace $0x80000049  }
0xe: {  	_ =	swait.ge [sflag:s7], $0x200  }
0xf: {  	[sflag:s7] =	ssyncset.done $0x0  }
0x10: {  	[sflag:s7] =	ssyncadd.s32 $0xFFFFFE00  }
0x11: {  	_ =	strace $0x90000049  }
0x12: {  	s13 =	simm.s32 $0x0;
	_ =	strace $0x8000004A  }
0x13: {  	v2 =	vld [tilespmem:s13+$0x0];
	_ =	sdelay $0x4  }
0x14: {  	(xrf0) =	vmax.scan.msk.f32 $0xffff, v2;
	_ =	sdelay $0x5  }
0x15: {  	v3, _, _ =	vpop (xrf0)  }
0x16: {  	v3 =	vbroadcast v3, $0xF;
	_ =	sdelay $0x1  }
0x17: {  	v2 =	vsub.f32 v2, v3;
	_ =	sdelay $0x1  }
0x18: {  	v2 =	vmul.f32 $1.442695020e+00, v2;
	_ =	sdelay $0x1  }
0x19: {  	(erf) = vpow2.f32 v2;
	_ =	sdelay $0x8  }
0x1a: {  	v2 =	vpop (erf)  }
0x1b: {  	(xrf2) =	vadd.scan.msk.f32 $0xffff, v2;
	_ =	sdelay $0x9  }
0x1c: {  	v3, _, _ =	vpop (xrf2)  }
0x1d: {  	v3 =	vbroadcast v3, $0xF;
	_ =	sdelay $0x1  }
0x1e: {  	(erf) = vrcp.f32 v3;
	_ =	sdelay $0x8  }
0x1f: {  	v3 =	vpop (erf)  }
0x20: {  	v2 =	vmul.f32 v3, v2;
	_ =	sdelay $0x1  }
0x21: {  	(xrf0) =	vmax.scan.msk.f32 $0xffff, v2;
	_ =	sdelay $0x5  }
0x22: {  	v3, _, _ =	vpop (xrf0)  }
0x23: {  	v3 =	vbroadcast v3, $0xF;
	_ =	sdelay $0x1  }
0x24: {  	vm2 =	veq.f32 v2, v3  }
0x25: {  	s14 =	simm.s32 $0x80;
	s15 =	simm.s32 $0x400;
	[tilespmem:s13+$0x400] =	vst v2;
	v3 =	vnsel vm2, $0x80000010, v1  }
.LBB2_2:
0x26: {  	p0 =	sne.s32 s15, $0x600;
	v4 =	vld [tilespmem:s14+$0x0];
	(xrf0) =	vmin.scan.msk.u32 $0xffff, v3;
	_ =	sdelay $0x4  }
0x27: {  	(xrf0) =	vmax.scan.msk.f32 $0xffff, v4  }
0x28: {  	v3, _, _ =	vpop (xrf0)  }
0x29: {  	(v2sf) =	vpush v3, $0xF;
	_ =	sdelay $0x3  }
0x2a: {  	v3, _, _ =	vpop (xrf0)  }
0x2b: {  	v3 =	vbroadcast v3, $0xF;
	_ =	sdelay $0x1  }
0x2c: {  	v3 =	vsub.f32 v4, v3;
	_ =	sdelay $0x1  }
0x2d: {  	v3 =	vmul.f32 $1.442695020e+00, v3;
	_ =	sdelay $0x1  }
0x2e: {  	(erf) = vpow2.f32 v3;
	_ =	sdelay $0x3  }
0x2f: {  	s16 =	spop (v2sf)  }
0x30: {  	s16 =	sxor.u32 $0x80000000, s16  }
0x31: {  	v3 =	vmov s16  }
0x32: {  	vm2 =	veq.s32 v3, v0  }
0x33: {  	v2 =	vsel vm2, $0xBF800000, v2  }
0x34: {  	v4 =	vpop (erf);
	(xrf0) =	vmax.scan.msk.f32 $0xffff, v2  }
0x35: {  	(xrf2) =	vadd.scan.msk.f32 $0xffff, v4;
	_ =	sdelay $0x4  }
0x36: {  	v5, _, _ =	vpop (xrf0)  }
0x37: {  	v5 =	vbroadcast v5, $0xF;
	_ =	sdelay $0x1  }
0x38: {  	vm2 =	veq.f32 v2, v5  }
0x39: {  	v2 =	vnsel vm2, $0x80000010, v1  }
0x3a: {  	v5, _, _ =	vpop (xrf2);
	(xrf0) =	vmin.scan.msk.u32 $0xffff, v2  }
0x3b: {  	v2 =	vbroadcast v5, $0xF;
	_ =	sdelay $0x1  }
0x3c: {  	(erf) = vrcp.f32 v2;
	_ =	sdelay $0x2  }
0x3d: {  	v2, _, _ =	vpop (xrf0)  }
0x3e: {  	(v2sf) =	vpush v2, $0xF;
	_ =	sdelay $0x4  }
0x3f: {  	v2 =	vpop (erf)  }
0x40: {  	v2 =	vmul.f32 v2, v4;
	_ =	sdelay $0x1  }
0x41: {  	[tilespmem:s14+$0x400] =	vst v2;
	(xrf0) =	vmax.scan.msk.f32 $0xffff, v2;
	_ =	sdelay $0x5  }
.Ltmp0:
0x42: {  	v4, _, _ =	vpop (xrf0);
	(pc) =	sbr.rel @p0 .LBB2_2-.Ltmp0, $4  }
0x43: {  	v4 =	vbroadcast v4, $0xF;
	s16 =	spop (v2sf)  }
0x44: {  	v3 =	vnsel vm0, $0x0, v3;
	s16 =	sxor.u32 $0x80000000, s16  }
0x45: {  	vm2 =	veq.f32 v2, v4;
	v4 =	vsel vm1, s16, v3  }
0x46: {  	v3 =	vnsel vm2, $0x80000010, v1;
	[tilespmem:s13+$0x800] =	vst v4;
	s13 =	smov.u32 s14;
	s14 =	sshra.s32 s15, $0x2;
	s15 =	sadd.s32 $0x200, s15  }
0x47: {  	v4 =	vld [tilespmem:s14+$0x0];
	_ =	sdelay $0x3  }
0x48: {  	(xrf0) =	vmin.scan.msk.u32 $0xffff, v3  }
0x49: {  	(xrf0) =	vmax.scan.msk.f32 $0xffff, v4;
	_ =	sdelay $0x4  }
0x4a: {  	v3, _, _ =	vpop (xrf0)  }
0x4b: {  	v5, _, _ =	vpop (xrf0)  }
0x4c: {  	v5 =	vbroadcast v5, $0xF;
	_ =	sdelay $0x1  }
0x4d: {  	v4 =	vsub.f32 v4, v5;
	_ =	sdelay $0x1  }
0x4e: {  	v4 =	vmul.f32 $1.442695020e+00, v4;
	_ =	sdelay $0x1  }
0x4f: {  	(erf) = vpow2.f32 v4;
	_ =	sdelay $0x2  }
0x50: {  	(v2sf) =	vpush v3, $0xF;
	_ =	sdelay $0x5  }
0x51: {  	v3 =	vpop (erf)  }
0x52: {  	(xrf2) =	vadd.scan.msk.f32 $0xffff, v3;
	_ =	sdelay $0x7  }
0x53: {  	s15 =	spop (v2sf)  }
0x54: {  	s15 =	sxor.u32 $0x80000000, s15  }
0x55: {  	v59 =	vmov s15;
	v60, _, _ =	vpop (xrf2)  }
0x56: {  	vm2 =	veq.s32 v59, v0;
	v5 =	vbroadcast v60, $0xF  }
0x57: {  	v2 =	vsel vm2, $0xBF800000, v2  }
0x58: {  	(xrf0) =	vmax.scan.msk.f32 $0xffff, v2;
	(erf) = vrcp.f32 v5;
	_ =	sdelay $0x5  }
0x59: {  	v61, _, _ =	vpop (xrf0)  }
0x5a: {  	v5 =	vbroadcast v61, $0xF;
	_ =	sdelay $0x1  }
0x5b: {  	vm2 =	veq.f32 v2, v5;
	v2 =	vpop (erf)  }
0x5c: {  	v5 =	vnsel vm2, $0x80000010, v1;
	v2 =	vmul.f32 v2, v3  }
0x5d: {  	(xrf0) =	vmin.scan.msk.u32 $0xffff, v5  }
0x5e: {  	(xrf0) =	vmax.scan.msk.f32 $0xffff, v2;
	_ =	sdelay $0x4  }
0x5f: {  	v3, _, _ =	vpop (xrf0)  }
0x60: {  	v62, _, _ =	vpop (xrf0)  }
0x61: {  	v5 =	vbroadcast v62, $0xF;
	_ =	sdelay $0x1  }
0x62: {  	vm2 =	veq.f32 v2, v5  }
0x63: {  	v5 =	vnsel vm2, $0x80000010, v1  }
0x64: {  	(xrf0) =	vmin.scan.msk.u32 $0xffff, v5;
	_ =	sdelay $0x5  }
0x65: {  	(v2sf) =	vpush v3, $0xF;
	v3, _, _ =	vpop (xrf0)  }
0x66: {  	(v2sf) =	vpush v3, $0xF;
	_ =	sdelay $0xd  }
0x67: {  	s29 =	spop (v2sf)  }
0x68: {  	s16 =	spop (v2sf)  }
0x69: {  	s16 =	sxor.u32 $0x80000000, s16  }
0x6a: {  	v3 =	vmov s16  }
0x6b: {  	vm2 =	veq.s32 v3, v0  }
0x6c: {  	v63 =	vsel vm2, $0xBF800000, v2  }
0x6d: {  	(xrf0) =	vmax.scan.msk.f32 $0xffff, v63;
	_ =	sdelay $0x5  }
0x6e: {  	v6, _, _ =	vpop (xrf0)  }
0x6f: {  	v6 =	vbroadcast v6, $0xF;
	_ =	sdelay $0x1  }
0x70: {  	vm2 =	veq.f32 v63, v6  }
0x71: {  	v5 =	vnsel vm2, $0x80000010, v1  }
0x72: {  	(xrf0) =	vmin.scan.msk.u32 $0xffff, v5;
	_ =	sdelay $0x5  }
0x73: {  	v5, _, _ =	vpop (xrf0)  }
0x74: {  	(v2sf) =	vpush v5, $0xF;
	_ =	sdelay $0xe  }
0x75: {  	v4 =	vnsel vm0, $0x0, v59;
	s15 =	sxor.u32 $0x80000000, s29;
	s30 =	spop (v2sf)  }
0x76: {  	[tilespmem:s14+$0x400] =	vst v2;
	v4 =	vsel vm1, s15, v4;
	v2 =	vnsel vm0, $0x0, v3;
	s31 =	sxor.u32 $0x80000000, s30  }
0x77: {  	[tilespmem:s13+$0x800] =	vst v4;
	v2 =	vsel vm1, s31, v2  }
0x78: {  	[tilespmem:s14+$0x800] =	vst v2  }
0x79: {  	_ =	strace $0x9000004A  }
0x7a: {  	_ =	strace $0x8000004B  }
0x7b: {  	[hbm4b:s4+s2] =	stream.linear.scatter [tilespmem:s8], [sflag:$0x3], $0x200, $0x200038;
	[tilespmem:$0xC00] =	vst v63  }
0x7c: {  	_ =	strace $0x9000004B  }
0x7d: {  	_ =	strace $0x8000004C  }
0x7e: {  	[hbm4b:s5+s2] =	stream.linear.scatter [tilespmem:s9], [sflag:$0x5], $0x200, $0x200038;
	[tilespmem:$0xC00] =	vst v63  }
0x7f: {  	_ =	strace $0x9000004C  }
0x80: {  	_ =	strace $0x8000004D  }
0x81: {  	s12 =	sadd.s32 $0x1, s12;
	_ =	swait.ge [sflag:s10], $0x200  }
0x82: {  	p0 =	sne.s32 s12, s6;
	[sflag:s10] =	ssyncset.done $0x0  }
.Ltmp1:
0x83: {  	[sflag:s10] =	ssyncadd.s32 $0xFFFFFE00;
	(pc) =	sbr.rel @p0 .LBB2_1-.Ltmp1, $4  }
0x84: {  	_ =	swait.ge [sflag:s11], $0x200  }
0x85: {  	[sflag:s11] =	ssyncset.done $0x0  }
0x86: {  	[sflag:s11] =	ssyncadd.s32 $0xFFFFFE00  }
0x87: {  	_ =	strace $0x9000004D  }
0x88: {  	_ =	sfence.sel $0x180000  }
0x89: {  	[bflag:$0x0] =	sbarrier.arrive $0xFFFF  }
0x8a: {  	p0 =	sne.s32 s1, $0x0;
	_ =	strace $0x90000047  }
0x8b: {  	s0 =	sadd.s32 @!p0 $0x100000, s0;
	[bflag:$0x2] =	sbarrier.arrive $0xFFFF  }
0x8c: {  	[sflag:s0] =	ssyncadd.tile.s32 @!p0 $0x1;
	_ =	shalt  }
.Lfunc_end2:
_tile_overlayer_lowered:
.L_overlay_start_2:
0x8d: {  	(tag) =	ssettag $0x2  }
0x8e: {  	s0 =	rddreg [dreg:$0x0];
	s2 =	stileid.u32  }
0x8f: {  	s1 =	rddreg [dreg:$0x1];
	p0 =	sne.s32 s2, $0x0  }
0x90: {  	s3 =	rddreg [dreg:$0x2];
	[bflag:$0x3] =	sbarrier.arrive $0xFFFF;
	s2 =	simm.s32 @!p0 $0x1C01  }
0x91: {  	[timem:s3], [sflag:s2] =	dma.local @!p0 [hbm:s0], s1  }
0x92: {  	s0 =	simm.s32 @!p0 $0x1  }
0x93: {  	_ =	swait.ge @!p0 [sflag:s0], s1  }
0x94: {  	s1 =	ssub.s32 @!p0 $0x0, s1;
	[sflag:s0] =	ssyncset.done @!p0 $0x0  }
0x95: {  	[sflag:s0] =	ssyncadd.s32 @!p0 s1  }
0x96: {  	[bflag:$0x3] =	sbarrier.arrive $0xFFFF  }
0x97: {  	_ =	shalt  }

</sc_bundles>
